<compile_context>
chip_gen: v7x
topology: tpu7x:2x2x1
jax: 0.10.2.dev20260603
libtpu: 0.0.44.dev20260713+nightly
codegen_flags: <defaults>
</compile_context>

<pallas_src>
import functools

import jax
import jax.numpy as jnp
import numpy as np
from jax import lax
from jax.experimental import pallas as pl
from jax.experimental.pallas import tpu as pltpu
from jax.experimental.pallas import tpu_sc as plsc

_OFFSET = (0.0, 1.0, 1.25, 1.5, 1.75, 2.0, 2.25, 2.5, 2.75, 3.0,
           3.5, 4.0, 4.5, 5.0, 5.5, 6.0, 7.0, 8.0, 9.0, 10.0)
_COEFF = -0.5
_NC = 2
_NS = 16
_NW = _NC * _NS
_GW = 256
_GG = 400
_GS = 200
_ZR = 40


def _silu(v):
    return v * jax.nn.sigmoid(v)


_RND = np.uint32(0x8000)
_HIMASK = np.uint32(0xFFFF0000)


def _pack2(lo_f32, hi_f32):
    lo = (lax.bitcast_convert_type(lo_f32, jnp.uint32) + _RND) >> 16
    hi = (lax.bitcast_convert_type(hi_f32, jnp.uint32) + _RND) & _HIMASK
    return lo | hi


def _unpack_lo(w):
    return lax.bitcast_convert_type(w << 16, jnp.float32)


def _unpack_hi(w):
    return lax.bitcast_convert_type(w & _HIMASK, jnp.float32)


def _prepass_body(h_ref, x_ref, w1a_ref, w1b_ref, b1_ref, t1_ref, t2_ref):
    h = h_ref[...]
    a = jnp.dot(h, w1a_ref[...], preferred_element_type=jnp.float32) + b1_ref[...]
    b = jnp.dot(h, w1b_ref[...], preferred_element_type=jnp.float32)
    x = x_ref[...]
    pad = jnp.zeros((h.shape[0], 125), jnp.float32)
    xc = jnp.concatenate([x, pad], axis=1)
    t1_ref[...] = _pack2(a, xc)
    t2_ref[...] = _pack2(b, -xc)


def _prepass(h, x, w1a, w1b, b1):
    n, hdim = h.shape
    rb = 1000
    return pl.pallas_call(
        _prepass_body,
        grid=(n // rb,),
        in_specs=[
            pl.BlockSpec((rb, hdim), lambda i: (i, 0)),
            pl.BlockSpec((rb, 3), lambda i: (i, 0)),
            pl.BlockSpec((hdim, hdim), lambda i: (0, 0)),
            pl.BlockSpec((hdim, hdim), lambda i: (0, 0)),
            pl.BlockSpec((1, hdim), lambda i: (0, 0)),
        ],
        out_specs=[
            pl.BlockSpec((rb, hdim), lambda i: (i, 0)),
            pl.BlockSpec((rb, hdim), lambda i: (i, 0)),
        ],
        out_shape=[jax.ShapeDtypeStruct((n, hdim), jnp.uint32)] * 2,
    )(h, x, w1a, w1b, b1.reshape(1, hdim))


def _gather_sc(t1, t2, dst, src):
    e = dst.shape[0]
    per_w = e // _NW
    mesh = plsc.VectorSubcoreMesh(core_axis_name="c", subcore_axis_name="s")

    @functools.partial(
        pl.kernel,
        mesh=mesh,
        out_type=(
            jax.ShapeDtypeStruct((e, 128), jnp.uint32),
            jax.ShapeDtypeStruct((e, 128), jnp.uint32),
        ),
        scratch_types=[
            pltpu.VMEM((_GG,), jnp.int32),
            pltpu.VMEM((_GG,), jnp.int32),
            pltpu.VMEM((_GG, 128), jnp.uint32),
            pltpu.VMEM((_GG, 128), jnp.uint32),
            pltpu.SemaphoreType.DMA,
            pltpu.SemaphoreType.DMA,
        ],
    )
    def k(t1_hbm, t2_hbm, dst_hbm, src_hbm, g1_hbm, g2_hbm,
          idx1, idx2, buf1, buf2, sem1, sem2):
        c = lax.axis_index("c")
        s = lax.axis_index("s")
        base = (s * _NC + c) * per_w

        @pl.loop(0, per_w, step=_GG)
        def _(off):
            b = base + off
            pltpu.sync_copy(dst_hbm.at[pl.ds(b, _GG)], idx1)
            pltpu.sync_copy(src_hbm.at[pl.ds(b, _GG)], idx2)
            cp1 = pltpu.async_copy(t1_hbm.at[idx1], buf1, sem1)
            cp2 = pltpu.async_copy(t2_hbm.at[idx2], buf2, sem2)
            cp1.wait()
            cp2.wait()
            pltpu.sync_copy(buf1, g1_hbm.at[pl.ds(b, _GG)])
            pltpu.sync_copy(buf2, g2_hbm.at[pl.ds(b, _GG)])

    return k(t1, t2, dst, src)


def _edge_body(g1_ref, g2_ref, ea_ref, off_ref, w1de_ref, w2_ref,
               b2_ref, winf_ref, binf_ref, xw1_ref, xb1_ref, xw2_ref,
               s_ref, v_ref):
    w1 = g1_ref[...]
    w2 = g2_ref[...]
    pre = _unpack_lo(w1) + _unpack_lo(w2)
    relx = (_unpack_hi(w1) + _unpack_hi(w2))[:, :3]
    dsq = jnp.sum(relx * relx, axis=1, keepdims=True)
    dist = jnp.sqrt(dsq + 1e-8)
    off = off_ref[...]
    dfeat = jnp.exp(_COEFF * (dist - off) ** 2)
    ef = jnp.concatenate([dfeat, ea_ref[...]], axis=1)
    pre = pre + jnp.dot(ef, w1de_ref[...], preferred_element_type=jnp.float32)
    y1 = _silu(pre)
    mij = _silu(jnp.dot(y1, w2_ref[...], preferred_element_type=jnp.float32)
                + b2_ref[...])
    eij = jax.nn.sigmoid(
        jnp.sum(mij * winf_ref[...], axis=1, keepdims=True) + binf_ref[...])
    t = _silu(jnp.dot(mij, xw1_ref[...], preferred_element_type=jnp.float32)
              + xb1_ref[...])
    xg = jnp.tanh(jnp.sum(t * xw2_ref[...], axis=1, keepdims=True))
    s_ref[...] = mij * eij
    v = relx * (xg / (dist + 1.0))
    pad = jnp.zeros((v.shape[0], 125), jnp.float32)
    v_ref[...] = jnp.concatenate([v, pad], axis=1)


def _edge_stage(g1, g2, ea, w1de, w2, b2, w_inf, b_inf, xw1, xb1, xw2):
    e = g1.shape[0]
    be = 2000
    nde, hdim = w1de.shape
    return pl.pallas_call(
        _edge_body,
        grid=(e // be,),
        in_specs=[
            pl.BlockSpec((be, hdim), lambda i: (i, 0)),
            pl.BlockSpec((be, hdim), lambda i: (i, 0)),
            pl.BlockSpec((be, ea.shape[1]), lambda i: (i, 0)),
            pl.BlockSpec((1, len(_OFFSET)), lambda i: (0, 0)),
            pl.BlockSpec((nde, hdim), lambda i: (0, 0)),
            pl.BlockSpec((hdim, hdim), lambda i: (0, 0)),
            pl.BlockSpec((1, hdim), lambda i: (0, 0)),
            pl.BlockSpec((1, hdim), lambda i: (0, 0)),
            pl.BlockSpec((1, 1), lambda i: (0, 0)),
            pl.BlockSpec((hdim, hdim), lambda i: (0, 0)),
            pl.BlockSpec((1, hdim), lambda i: (0, 0)),
            pl.BlockSpec((1, hdim), lambda i: (0, 0)),
        ],
        out_specs=[
            pl.BlockSpec((be, hdim), lambda i: (i, 0)),
            pl.BlockSpec((be, hdim), lambda i: (i, 0)),
        ],
        out_shape=[
            jax.ShapeDtypeStruct((e, hdim), jnp.float32),
            jax.ShapeDtypeStruct((e, hdim), jnp.float32),
        ],
    )(g1, g2, ea, jnp.asarray(_OFFSET, jnp.float32).reshape(1, -1),
      w1de, w2, b2.reshape(1, hdim), w_inf.reshape(1, hdim),
      b_inf.reshape(1, 1), xw1, xb1.reshape(1, hdim), xw2.reshape(1, hdim))


def _scatter_sc(sarr, varr, dst, n_nodes):
    e = dst.shape[0]
    hdim = sarr.shape[1]
    per_w = e // _NW
    n_chunks = n_nodes // _ZR
    k_outer = (n_chunks + _NS - 1) // _NS
    mesh = plsc.VectorSubcoreMesh(core_axis_name="c", subcore_axis_name="s")

    @functools.partial(
        pl.kernel,
        mesh=mesh,
        out_type=(
            jax.ShapeDtypeStruct((n_nodes, hdim), jnp.float32),
            jax.ShapeDtypeStruct((n_nodes, hdim), jnp.float32),
            jax.ShapeDtypeStruct((n_nodes, hdim), jnp.float32),
            jax.ShapeDtypeStruct((n_nodes, hdim), jnp.float32),
        ),
        scratch_types=[
            pltpu.VMEM((_GS,), jnp.int32),
            pltpu.VMEM((_GS, 128), jnp.float32),
            pltpu.VMEM((_ZR, 128), jnp.float32),
            pltpu.VMEM_SHARED((n_nodes, 128), jnp.float32),
        ],
    )
    def k(s_hbm, v_hbm, dst_hbm, o0_hbm, o1_hbm, vo0_hbm, vo1_hbm,
          idx, bufs, zbuf, acc):
        c = lax.axis_index("c")
        s = lax.axis_index("s")
        wid = c * _NS + s
        base = wid * per_w
        zv = jnp.zeros((16,), jnp.float32)

        @pl.loop(0, _ZR)
        def _(r):
            @pl.loop(0, 128, step=16)
            def _(c0):
                zbuf.at[r, pl.ds(c0, 16)][...] = zv

        def zero_acc():
            @pl.loop(0, k_outer)
            def _(ko):
                ch = s + ko * _NS

                @pl.when(ch < n_chunks)
                def _():
                    pltpu.sync_copy(zbuf, acc.at[pl.ds(ch * _ZR, _ZR)])

        def scatter_pass(in_hbm):
            @pl.loop(0, per_w, step=_GS)
            def _(off):
                b = base + off
                pltpu.sync_copy(dst_hbm.at[pl.ds(b, _GS)], idx)
                pltpu.sync_copy(in_hbm.at[pl.ds(b, _GS)], bufs)
                pltpu.sync_copy(bufs, acc.at[idx], add=True)

        def writeout(out0_hbm, out1_hbm):
            @pl.loop(0, k_outer)
            def _(ko):
                ch = s + ko * _NS

                @pl.when(ch < n_chunks)
                def _():
                    sl = pl.ds(ch * _ZR, _ZR)

                    @pl.when(c == 0)
                    def _():
                        pltpu.sync_copy(acc.at[sl], out0_hbm.at[sl])

                    @pl.when(c == 1)
                    def _():
                        pltpu.sync_copy(acc.at[sl], out1_hbm.at[sl])

        zero_acc()
        plsc.subcore_barrier()
        scatter_pass(s_hbm)
        plsc.subcore_barrier()
        writeout(o0_hbm, o1_hbm)
        plsc.subcore_barrier()
        zero_acc()
        plsc.subcore_barrier()
        scatter_pass(v_hbm)
        plsc.subcore_barrier()
        writeout(vo0_hbm, vo1_hbm)

    return k(sarr, varr, dst)


def _node_body(m0_ref, m1_ref, vo0_ref, vo1_ref, h_ref, x_ref,
               nw1a_ref, nw1b_ref, nb1_ref, nw2_ref, nb2_ref,
               ho_ref, xo_ref):
    mi = m0_ref[...] + m1_ref[...]
    h = h_ref[...]
    u = _silu(jnp.dot(mi, nw1a_ref[...], preferred_element_type=jnp.float32)
              + jnp.dot(h, nw1b_ref[...], preferred_element_type=jnp.float32)
              + nb1_ref[...])
    ho_ref[...] = h + jnp.dot(u, nw2_ref[...],
                              preferred_element_type=jnp.float32) + nb2_ref[...]
    dx = vo0_ref[...][:, :3] + vo1_ref[...][:, :3]
    xo_ref[...] = x_ref[...] + dx


def _node_stage(m0, m1, vo0, vo1, h, x, nw1a, nw1b, nb1, nw2, nb2):
    n, hdim = h.shape
    rb = 1000
    return pl.pallas_call(
        _node_body,
        grid=(n // rb,),
        in_specs=[
            pl.BlockSpec((rb, hdim), lambda i: (i, 0)),
            pl.BlockSpec((rb, hdim), lambda i: (i, 0)),
            pl.BlockSpec((rb, hdim), lambda i: (i, 0)),
            pl.BlockSpec((rb, hdim), lambda i: (i, 0)),
            pl.BlockSpec((rb, hdim), lambda i: (i, 0)),
            pl.BlockSpec((rb, 3), lambda i: (i, 0)),
            pl.BlockSpec((hdim, hdim), lambda i: (0, 0)),
            pl.BlockSpec((hdim, hdim), lambda i: (0, 0)),
            pl.BlockSpec((1, hdim), lambda i: (0, 0)),
            pl.BlockSpec((hdim, hdim), lambda i: (0, 0)),
            pl.BlockSpec((1, hdim), lambda i: (0, 0)),
        ],
        out_specs=[
            pl.BlockSpec((rb, hdim), lambda i: (i, 0)),
            pl.BlockSpec((rb, 3), lambda i: (i, 0)),
        ],
        out_shape=[
            jax.ShapeDtypeStruct((n, hdim), jnp.float32),
            jax.ShapeDtypeStruct((n, 3), jnp.float32),
        ],
    )(m0, m1, vo0, vo1, h, x, nw1a, nw1b, nb1.reshape(1, hdim), nw2,
      nb2.reshape(1, hdim))


def kernel(h, x, edge_index, mask_ligand, edge_attr, W1, b1, W2, b2,
           w_inf, b_inf, xW1, xb1, xW2, nW1, nb1, nW2, nb2):
    n, hdim = h.shape
    src = edge_index[0]
    dst = edge_index[1]
    t1, t2 = _prepass(h, x, W1[:hdim], W1[hdim:2 * hdim], b1)
    g1, g2 = _gather_sc(t1, t2, dst, src)
    s, v = _edge_stage(g1, g2, edge_attr, W1[2 * hdim:], W2, b2,
                       w_inf, b_inf, xW1, xb1, xW2)
    m0, m1, vo0, vo1 = _scatter_sc(s, v, dst, n)
    h_out, x_out = _node_stage(m0, m1, vo0, vo1, h, x,
                               nW1[:hdim], nW1[hdim:], nb1, nW2, nb2)
    return (h_out, x_out)

# --- scband reference (transcript-rebuilt; emitter-appended) ---
"""Pipeline reference for scband-en-base-layer-48576080117843 (READ-ONLY COPY).

The authoritative reference and input builder live on the scoring server;
editing this copy changes nothing except your own understanding.
"""

import jax, jax.numpy as jnp
import numpy as np

N = 10000
E = 320000
H = 128
DE = 16
NG = 20
OFFSET = jnp.asarray([0, 1, 1.25, 1.5, 1.75, 2, 2.25, 2.5, 2.75, 3, 3.5, 4, 4.5, 5, 5.5, 6, 7, 8, 9, 10], dtype=jnp.float32)
COEFF = -0.5  # -0.5 / (offset[1]-offset[0])**2 with offset[1]-offset[0] == 1.0


def _glorot(k, shp):
    fan_in, fan_out = shp
    s = float(np.sqrt(6.0 / (fan_in + fan_out)))
    return jax.random.uniform(k, shp, jnp.float32, -s, s)


def _mlp2(x, W1, b1, W2, b2, act_last):
    y = jax.nn.silu(x @ W1 + b1)
    y = y @ W2 + b2
    if act_last:
        y = jax.nn.silu(y)
    return y


def setup_inputs(seed: int = 0) -> dict:
    key = jax.random.key(seed)
    ks = jax.random.split(key, 12)
    h = jax.random.normal(ks[0], (N, H), jnp.float32)
    x = jax.random.normal(ks[1], (N, 3), jnp.float32)
    edge_index = jax.random.randint(ks[2], (2, E), 0, N, jnp.int32)
    mask_ligand = jnp.zeros((N,), jnp.bool_)
    edge_attr = jax.random.normal(ks[3], (E, DE), jnp.float32)
    W1 = _glorot(ks[4], (2 * H + DE + NG, H)); b1 = jnp.zeros((H,), jnp.float32)
    W2 = _glorot(ks[5], (H, H)); b2 = jnp.zeros((H,), jnp.float32)
    w_inf = _glorot(ks[6], (H, 1)); b_inf = jnp.zeros((1,), jnp.float32)
    xW1 = _glorot(ks[7], (H, H)); xb1 = jnp.zeros((H,), jnp.float32)
    xW2 = _glorot(ks[8], (H, 1)) * 0.001  # xavier gain=0.001, no bias
    nW1 = _glorot(ks[9], (2 * H, H)); nb1 = jnp.zeros((H,), jnp.float32)
    nW2 = _glorot(ks[10], (H, H)); nb2 = jnp.zeros((H,), jnp.float32)
    return {
        'h': h, 'x': x, 'edge_index': edge_index, 'mask_ligand': mask_ligand,
        'edge_attr': edge_attr,
        'W1': W1, 'b1': b1, 'W2': W2, 'b2': b2,
        'w_inf': w_inf, 'b_inf': b_inf,
        'xW1': xW1, 'xb1': xb1, 'xW2': xW2,
        'nW1': nW1, 'nb1': nb1, 'nW2': nW2, 'nb2': nb2,
    }


def reference(h, x, edge_index, mask_ligand, edge_attr, W1, b1, W2, b2, w_inf, b_inf, xW1, xb1, xW2, nW1, nb1, nW2, nb2):
    src = edge_index[0]
    dst = edge_index[1]
    hi = jnp.take(h, dst, axis=0)
    hj = jnp.take(h, src, axis=0)
    rel_x = jnp.take(x, dst, axis=0) - jnp.take(x, src, axis=0)
    d_sq = jnp.sum(rel_x ** 2, axis=-1, keepdims=True)
    dist = jnp.sqrt(d_sq + 1e-08)
    # GaussianSmearing with fixed 20-entry offset buffer
    d_feat = jnp.exp(COEFF * (dist - OFFSET[None, :]) ** 2)
    edge_feat = jnp.concatenate([d_feat, edge_attr], axis=-1)
    mij = _mlp2(jnp.concatenate([hi, hj, edge_feat], axis=-1), W1, b1, W2, b2, act_last=True)
    eij = jax.nn.sigmoid(mij @ w_inf + b_inf)
    mi = jax.ops.segment_sum(mij * eij, dst, num_segments=h.shape[0])
    h_out = h + _mlp2(jnp.concatenate([mi, h], axis=-1), nW1, nb1, nW2, nb2, act_last=False)
    x_gate = jnp.tanh(jax.nn.silu(mij @ xW1 + xb1) @ xW2)
    delta_x = jax.ops.segment_sum(rel_x / (dist + 1.0) * x_gate, dst, num_segments=h.shape[0])
    x_out = x + delta_x
    return (h_out, x_out)

if __name__ == "__main__":
    import jax
    _d = setup_inputs()
    print(jax.jit(kernel)(*tuple(_d.values())))

</pallas_src>

<mosaic_0001>
#map = affine_map<(d0, d1) -> (0, 0)>
#map1 = affine_map<(d0, d1) -> (0)>
module attributes {stable_mosaic.version = 14 : i64} {
  func.func @k(%arg0: i32, %arg1: i32, %arg2: memref<320000x128xf32, #tpu.memory_space<hbm>>, %arg3: memref<320000x128xf32, #tpu.memory_space<hbm>>, %arg4: memref<320000xi32, #tpu.memory_space<hbm>>, %arg5: memref<10000x128xf32, #tpu.memory_space<hbm>>, %arg6: memref<10000x128xf32, #tpu.memory_space<hbm>>, %arg7: memref<10000x128xf32, #tpu.memory_space<hbm>>, %arg8: memref<10000x128xf32, #tpu.memory_space<hbm>>, %arg9: memref<200xi32, #tpu.memory_space<vmem>>, %arg10: memref<200x128xf32, #tpu.memory_space<vmem>>, %arg11: memref<40x128xf32, #tpu.memory_space<vmem>>, %arg12: memref<10000x128xf32, #tpu.memory_space<vmem_shared>>) attributes {dimension_semantics = [#tpu.dimension_semantics<core_parallel>, #tpu.dimension_semantics<subcore_parallel>], iteration_bounds = array<i64: 2, 16>, scalar_prefetch = 0 : i64, scratch_operands = 4 : i64, tpu.core_type = #tpu.core_type<sc_vector_subcore>, window_params = [{transform_indices = #map}, {transform_indices = #map}, {transform_indices = #map1}, {transform_indices = #map}, {transform_indices = #map}, {transform_indices = #map}, {transform_indices = #map}]} {
    %mul3A = arith.constant 16 : i32
    %mul3A_0 = arith.muli %arg0, %mul3A : i32
    %add3A = arith.addi %mul3A_0, %arg1 : i32
    %mul3A_1 = arith.constant 10000 : i32
    %mul3A_2 = arith.muli %add3A, %mul3A_1 : i32
    %broadcast_in_dim3A = arith.constant 0.000000e+00 : f32
    %broadcast_in_dim3A_3 = vector.broadcast %broadcast_in_dim3A : f32 to vector<16xf32>
    %scan3A = arith.constant 0 : i32
    %scan3A_4 = arith.constant 40 : i32
    %scan3A_5 = arith.addi %scan3A, %scan3A_4 : i32
    %scan3A_6 = arith.constant 1 : i32
    scf.for %scan3A_42 = %scan3A to %scan3A_5 step %scan3A_6  : i32 {
      %mul3A_43 = arith.constant 1 : i32
      %mul3A_44 = arith.muli %scan3A_42, %mul3A_43 : i32
      %add3A_45 = arith.constant 0 : i32
      %add3A_46 = arith.addi %add3A_45, %mul3A_44 : i32
      %scan3A_47 = arith.constant 0 : i32
      %scan3A_48 = arith.constant 8 : i32
      %scan3A_49 = arith.addi %scan3A_47, %scan3A_48 : i32
      %scan3A_50 = arith.constant 1 : i32
      scf.for %scan3A_52 = %scan3A_47 to %scan3A_49 step %scan3A_50  : i32 {
        %mul3A_53 = arith.constant 16 : i32
        %mul3A_54 = arith.muli %scan3A_52, %mul3A_53 : i32
        %add3A_55 = arith.constant 0 : i32
        %add3A_56 = arith.addi %add3A_55, %mul3A_54 : i32
        %swap3A = arith.index_cast %add3A_46 : i32 to index
        %swap3A_57 = arith.index_cast %add3A_56 : i32 to index
        %swap3A_58 = tpu.vector_load %arg11[%swap3A, %swap3A_57] {strides = array<i32>} : memref<40x128xf32, #tpu.memory_space<vmem>>, vector<1x16xf32>,
        %swap3A_59 = vector.shape_cast %swap3A_58 : vector<1x16xf32> to vector<16xf32>
        %swap3A_60 = vector.shape_cast %broadcast_in_dim3A_3 : vector<16xf32> to vector<1x16xf32>
        tpu.vector_store %arg11[%swap3A, %swap3A_57], %swap3A_60 {strides = array<i32>} : memref<40x128xf32, #tpu.memory_space<vmem>>, vector<1x16xf32>,
      }
      %scan3A_51 = arith.constant 8 : i32
    }
    %scan3A_7 = arith.constant 40 : i32
    %scan3A_8 = arith.constant 0 : i32
    %scan3A_9 = arith.constant 16 : i32
    %scan3A_10 = arith.addi %scan3A_8, %scan3A_9 : i32
    %scan3A_11 = arith.constant 1 : i32
    scf.for %scan3A_42 = %scan3A_8 to %scan3A_10 step %scan3A_11  : i32 {
      %mul3A_43 = arith.constant 1 : i32
      %mul3A_44 = arith.muli %scan3A_42, %mul3A_43 : i32
      %add3A_45 = arith.constant 0 : i32
      %add3A_46 = arith.addi %add3A_45, %mul3A_44 : i32
      %mul3A_47 = arith.constant 16 : i32
      %mul3A_48 = arith.muli %add3A_46, %mul3A_47 : i32
      %add3A_49 = arith.addi %arg1, %mul3A_48 : i32
      %lt3A = arith.constant 250 : i32
      %lt3A_50 = arith.cmpi slt, %add3A_49, %lt3A : i32
      %convert_element_type3A = arith.extui %lt3A_50 : i1 to i32
      %cond3A = arith.constant 0 : i32
      %cond3A_51 = arith.cmpi ne, %convert_element_type3A, %cond3A : i32
      scf.if %cond3A_51 {
        %mul3A_52 = arith.constant 40 : i32
        %mul3A_53 = arith.muli %add3A_49, %mul3A_52 : i32
        "tpu.region"() ({
          %run_scoped3A = tpu.sem_alloc : memref<!tpu.dma_semaphore, #tpu.memory_space<semaphore_mem>>
          %dma_start3A = arith.constant 0 : i32
          %dma_start3A_54 = tpu.memref_slice %arg12[%mul3A_53, %dma_start3A] : memref<10000x128xf32, #tpu.memory_space<vmem_shared>> -> memref<40x128xf32, #tpu.memory_space<vmem_shared>>
          %dma_start3A_55 = arith.constant 0 : i32
          %dma_start3A_56 = tpu.memref_slice %arg12[%mul3A_53, %dma_start3A_55] : memref<10000x128xf32, #tpu.memory_space<vmem_shared>> -> memref<40x128xf32, #tpu.memory_space<vmem_shared>>
          tpu.enqueue_dma source(%arg11 : memref<40x128xf32, #tpu.memory_space<vmem>>) target(%dma_start3A_56 : memref<40x128xf32, #tpu.memory_space<vmem_shared>>) target_semaphore(%run_scoped3A : memref<!tpu.dma_semaphore, #tpu.memory_space<semaphore_mem>>)
          %dma_wait3A = arith.constant 0 : i32
          %dma_wait3A_57 = tpu.memref_slice %arg12[%mul3A_53, %dma_wait3A] : memref<10000x128xf32, #tpu.memory_space<vmem_shared>> -> memref<40x128xf32, #tpu.memory_space<vmem_shared>>
          %dma_wait3A_58 = arith.constant 0 : i32
          %dma_wait3A_59 = tpu.memref_slice %arg12[%mul3A_53, %dma_wait3A_58] : memref<10000x128xf32, #tpu.memory_space<vmem_shared>> -> memref<40x128xf32, #tpu.memory_space<vmem_shared>>
          tpu.wait_dma2 semaphore(%run_scoped3A : memref<!tpu.dma_semaphore, #tpu.memory_space<semaphore_mem>>) src(%arg11 : memref<40x128xf32, #tpu.memory_space<vmem>>) dst(%dma_wait3A_59 : memref<40x128xf32, #tpu.memory_space<vmem_shared>>)
          tpu.yield
        }) : () -> ()
      } else {
      }
    }
    %scan3A_12 = arith.constant 16 : i32
    %barrier3A = arith.constant 0 : index
    tpu.barrier barrier_id(%barrier3A)
    %scan3A_13 = arith.constant 0 : i32
    %scan3A_14 = arith.constant 50 : i32
    %scan3A_15 = arith.addi %scan3A_13, %scan3A_14 : i32
    %scan3A_16 = arith.constant 1 : i32
    scf.for %scan3A_42 = %scan3A_13 to %scan3A_15 step %scan3A_16  : i32 {
      %mul3A_43 = arith.constant 200 : i32
      %mul3A_44 = arith.muli %scan3A_42, %mul3A_43 : i32
      %add3A_45 = arith.constant 0 : i32
      %add3A_46 = arith.addi %add3A_45, %mul3A_44 : i32
      %add3A_47 = arith.addi %mul3A_2, %add3A_46 : i32
      "tpu.region"() ({
        %run_scoped3A = tpu.sem_alloc : memref<!tpu.dma_semaphore, #tpu.memory_space<semaphore_mem>>
        %dma_start3A = tpu.memref_slice %arg4[%add3A_47] : memref<320000xi32, #tpu.memory_space<hbm>> -> memref<200xi32, #tpu.memory_space<hbm>>
        %dma_start3A_48 = tpu.memref_slice %arg4[%add3A_47] : memref<320000xi32, #tpu.memory_space<hbm>> -> memref<200xi32, #tpu.memory_space<hbm>>
        tpu.enqueue_dma source(%dma_start3A_48 : memref<200xi32, #tpu.memory_space<hbm>>) target(%arg9 : memref<200xi32, #tpu.memory_space<vmem>>) target_semaphore(%run_scoped3A : memref<!tpu.dma_semaphore, #tpu.memory_space<semaphore_mem>>)
        %dma_wait3A = tpu.memref_slice %arg4[%add3A_47] : memref<320000xi32, #tpu.memory_space<hbm>> -> memref<200xi32, #tpu.memory_space<hbm>>
        %dma_wait3A_49 = tpu.memref_slice %arg4[%add3A_47] : memref<320000xi32, #tpu.memory_space<hbm>> -> memref<200xi32, #tpu.memory_space<hbm>>
        tpu.wait_dma2 semaphore(%run_scoped3A : memref<!tpu.dma_semaphore, #tpu.memory_space<semaphore_mem>>) src(%dma_wait3A_49 : memref<200xi32, #tpu.memory_space<hbm>>) dst(%arg9 : memref<200xi32, #tpu.memory_space<vmem>>)
        tpu.yield
      }) : () -> ()
      "tpu.region"() ({
        %run_scoped3A = tpu.sem_alloc : memref<!tpu.dma_semaphore, #tpu.memory_space<semaphore_mem>>
        %dma_start3A = arith.constant 0 : i32
        %dma_start3A_48 = tpu.memref_slice %arg2[%add3A_47, %dma_start3A] : memref<320000x128xf32, #tpu.memory_space<hbm>> -> memref<200x128xf32, #tpu.memory_space<hbm>>
        %dma_start3A_49 = arith.constant 0 : i32
        %dma_start3A_50 = tpu.memref_slice %arg2[%add3A_47, %dma_start3A_49] : memref<320000x128xf32, #tpu.memory_space<hbm>> -> memref<200x128xf32, #tpu.memory_space<hbm>>
        tpu.enqueue_dma source(%dma_start3A_50 : memref<200x128xf32, #tpu.memory_space<hbm>>) target(%arg10 : memref<200x128xf32, #tpu.memory_space<vmem>>) target_semaphore(%run_scoped3A : memref<!tpu.dma_semaphore, #tpu.memory_space<semaphore_mem>>)
        %dma_wait3A = arith.constant 0 : i32
        %dma_wait3A_51 = tpu.memref_slice %arg2[%add3A_47, %dma_wait3A] : memref<320000x128xf32, #tpu.memory_space<hbm>> -> memref<200x128xf32, #tpu.memory_space<hbm>>
        %dma_wait3A_52 = arith.constant 0 : i32
        %dma_wait3A_53 = tpu.memref_slice %arg2[%add3A_47, %dma_wait3A_52] : memref<320000x128xf32, #tpu.memory_space<hbm>> -> memref<200x128xf32, #tpu.memory_space<hbm>>
        tpu.wait_dma2 semaphore(%run_scoped3A : memref<!tpu.dma_semaphore, #tpu.memory_space<semaphore_mem>>) src(%dma_wait3A_53 : memref<200x128xf32, #tpu.memory_space<hbm>>) dst(%arg10 : memref<200x128xf32, #tpu.memory_space<vmem>>)
        tpu.yield
      }) : () -> ()
      "tpu.region"() ({
        %run_scoped3A = tpu.sem_alloc : memref<!tpu.dma_semaphore, #tpu.memory_space<semaphore_mem>>
        %dma_start3A = arith.constant 0 : i32
        %dma_start3A_48 = arith.constant 0 : i32
        %dma_start3A_49 = tpu.memref_slice %arg12[%dma_start3A, %dma_start3A_48] : memref<10000x128xf32, #tpu.memory_space<vmem_shared>> -> memref<10000x128xf32, #tpu.memory_space<vmem_shared>>
        tpu.enqueue_indirect_dma source(%arg10 : memref<200x128xf32, #tpu.memory_space<vmem>>) target(%dma_start3A_49 : memref<10000x128xf32, #tpu.memory_space<vmem_shared>>) offsets(%arg9 : memref<200xi32, #tpu.memory_space<vmem>>) semaphore(%run_scoped3A : memref<!tpu.dma_semaphore, #tpu.memory_space<semaphore_mem>>) {add = true}
        %dma_wait3A = arith.constant 0 : i32
        %dma_wait3A_50 = arith.constant 0 : i32
        %dma_wait3A_51 = tpu.memref_slice %arg12[%dma_wait3A, %dma_wait3A_50] : memref<10000x128xf32, #tpu.memory_space<vmem_shared>> -> memref<10000x128xf32, #tpu.memory_space<vmem_shared>>
        tpu.wait_indirect_dma semaphore(%run_scoped3A : memref<!tpu.dma_semaphore, #tpu.memory_space<semaphore_mem>>) src(%arg10 : memref<200x128xf32, #tpu.memory_space<vmem>>) dst(%dma_wait3A_51 : memref<10000x128xf32, #tpu.memory_space<vmem_shared>>)
        tpu.yield
      }) : () -> ()
    }
    %scan3A_17 = arith.constant 50 : i32
    %barrier3A_18 = arith.constant 0 : index
    tpu.barrier barrier_id(%barrier3A_18)
    %scan3A_19 = arith.constant 0 : i32
    %scan3A_20 = arith.constant 16 : i32
    %scan3A_21 = arith.addi %scan3A_19, %scan3A_20 : i32
    %scan3A_22 = arith.constant 1 : i32
    scf.for %scan3A_42 = %scan3A_19 to %scan3A_21 step %scan3A_22  : i32 {
      %mul3A_43 = arith.constant 1 : i32
      %mul3A_44 = arith.muli %scan3A_42, %mul3A_43 : i32
      %add3A_45 = arith.constant 0 : i32
      %add3A_46 = arith.addi %add3A_45, %mul3A_44 : i32
      %mul3A_47 = arith.constant 16 : i32
      %mul3A_48 = arith.muli %add3A_46, %mul3A_47 : i32
      %add3A_49 = arith.addi %arg1, %mul3A_48 : i32
      %lt3A = arith.constant 250 : i32
      %lt3A_50 = arith.cmpi slt, %add3A_49, %lt3A : i32
      %convert_element_type3A = arith.extui %lt3A_50 : i1 to i32
      %cond3A = arith.constant 0 : i32
      %cond3A_51 = arith.cmpi ne, %convert_element_type3A, %cond3A : i32
      scf.if %cond3A_51 {
        %mul3A_52 = arith.constant 40 : i32
        %mul3A_53 = arith.muli %add3A_49, %mul3A_52 : i32
        %eq3A = arith.constant 0 : i32
        %eq3A_54 = arith.cmpi eq, %arg0, %eq3A : i32
        %convert_element_type3A_55 = arith.extui %eq3A_54 : i1 to i32
        %cond3A_56 = arith.constant 0 : i32
        %cond3A_57 = arith.cmpi ne, %convert_element_type3A_55, %cond3A_56 : i32
        scf.if %cond3A_57 {
          "tpu.region"() ({
            %run_scoped3A = tpu.sem_alloc : memref<!tpu.dma_semaphore, #tpu.memory_space<semaphore_mem>>
            %dma_start3A = arith.constant 0 : i32
            %dma_start3A_63 = tpu.memref_slice %arg5[%mul3A_53, %dma_start3A] : memref<10000x128xf32, #tpu.memory_space<hbm>> -> memref<40x128xf32, #tpu.memory_space<hbm>>
            %dma_start3A_64 = arith.constant 0 : i32
            %dma_start3A_65 = tpu.memref_slice %arg12[%mul3A_53, %dma_start3A_64] : memref<10000x128xf32, #tpu.memory_space<vmem_shared>> -> memref<40x128xf32, #tpu.memory_space<vmem_shared>>
            tpu.enqueue_dma source(%dma_start3A_65 : memref<40x128xf32, #tpu.memory_space<vmem_shared>>) target(%dma_start3A_63 : memref<40x128xf32, #tpu.memory_space<hbm>>) target_semaphore(%run_scoped3A : memref<!tpu.dma_semaphore, #tpu.memory_space<semaphore_mem>>)
            %dma_wait3A = arith.constant 0 : i32
            %dma_wait3A_66 = tpu.memref_slice %arg5[%mul3A_53, %dma_wait3A] : memref<10000x128xf32, #tpu.memory_space<hbm>> -> memref<40x128xf32, #tpu.memory_space<hbm>>
            %dma_wait3A_67 = arith.constant 0 : i32
            %dma_wait3A_68 = tpu.memref_slice %arg12[%mul3A_53, %dma_wait3A_67] : memref<10000x128xf32, #tpu.memory_space<vmem_shared>> -> memref<40x128xf32, #tpu.memory_space<vmem_shared>>
            tpu.wait_dma2 semaphore(%run_scoped3A : memref<!tpu.dma_semaphore, #tpu.memory_space<semaphore_mem>>) src(%dma_wait3A_68 : memref<40x128xf32, #tpu.memory_space<vmem_shared>>) dst(%dma_wait3A_66 : memref<40x128xf32, #tpu.memory_space<hbm>>)
            tpu.yield
          }) : () -> ()
        } else {
        }
        %eq3A_58 = arith.constant 1 : i32
        %eq3A_59 = arith.cmpi eq, %arg0, %eq3A_58 : i32
        %convert_element_type3A_60 = arith.extui %eq3A_59 : i1 to i32
        %cond3A_61 = arith.constant 0 : i32
        %cond3A_62 = arith.cmpi ne, %convert_element_type3A_60, %cond3A_61 : i32
        scf.if %cond3A_62 {
          "tpu.region"() ({
            %run_scoped3A = tpu.sem_alloc : memref<!tpu.dma_semaphore, #tpu.memory_space<semaphore_mem>>
            %dma_start3A = arith.constant 0 : i32
            %dma_start3A_63 = tpu.memref_slice %arg6[%mul3A_53, %dma_start3A] : memref<10000x128xf32, #tpu.memory_space<hbm>> -> memref<40x128xf32, #tpu.memory_space<hbm>>
            %dma_start3A_64 = arith.constant 0 : i32
            %dma_start3A_65 = tpu.memref_slice %arg12[%mul3A_53, %dma_start3A_64] : memref<10000x128xf32, #tpu.memory_space<vmem_shared>> -> memref<40x128xf32, #tpu.memory_space<vmem_shared>>
            tpu.enqueue_dma source(%dma_start3A_65 : memref<40x128xf32, #tpu.memory_space<vmem_shared>>) target(%dma_start3A_63 : memref<40x128xf32, #tpu.memory_space<hbm>>) target_semaphore(%run_scoped3A : memref<!tpu.dma_semaphore, #tpu.memory_space<semaphore_mem>>)
            %dma_wait3A = arith.constant 0 : i32
            %dma_wait3A_66 = tpu.memref_slice %arg6[%mul3A_53, %dma_wait3A] : memref<10000x128xf32, #tpu.memory_space<hbm>> -> memref<40x128xf32, #tpu.memory_space<hbm>>
            %dma_wait3A_67 = arith.constant 0 : i32
            %dma_wait3A_68 = tpu.memref_slice %arg12[%mul3A_53, %dma_wait3A_67] : memref<10000x128xf32, #tpu.memory_space<vmem_shared>> -> memref<40x128xf32, #tpu.memory_space<vmem_shared>>
            tpu.wait_dma2 semaphore(%run_scoped3A : memref<!tpu.dma_semaphore, #tpu.memory_space<semaphore_mem>>) src(%dma_wait3A_68 : memref<40x128xf32, #tpu.memory_space<vmem_shared>>) dst(%dma_wait3A_66 : memref<40x128xf32, #tpu.memory_space<hbm>>)
            tpu.yield
          }) : () -> ()
        } else {
        }
      } else {
      }
    }
    %scan3A_23 = arith.constant 16 : i32
    %barrier3A_24 = arith.constant 0 : index
    tpu.barrier barrier_id(%barrier3A_24)
    %scan3A_25 = arith.constant 0 : i32
    %scan3A_26 = arith.constant 16 : i32
    %scan3A_27 = arith.addi %scan3A_25, %scan3A_26 : i32
    %scan3A_28 = arith.constant 1 : i32
    scf.for %scan3A_42 = %scan3A_25 to %scan3A_27 step %scan3A_28  : i32 {
      %mul3A_43 = arith.constant 1 : i32
      %mul3A_44 = arith.muli %scan3A_42, %mul3A_43 : i32
      %add3A_45 = arith.constant 0 : i32
      %add3A_46 = arith.addi %add3A_45, %mul3A_44 : i32
      %mul3A_47 = arith.constant 16 : i32
      %mul3A_48 = arith.muli %add3A_46, %mul3A_47 : i32
      %add3A_49 = arith.addi %arg1, %mul3A_48 : i32
      %lt3A = arith.constant 250 : i32
      %lt3A_50 = arith.cmpi slt, %add3A_49, %lt3A : i32
      %convert_element_type3A = arith.extui %lt3A_50 : i1 to i32
      %cond3A = arith.constant 0 : i32
      %cond3A_51 = arith.cmpi ne, %convert_element_type3A, %cond3A : i32
      scf.if %cond3A_51 {
        %mul3A_52 = arith.constant 40 : i32
        %mul3A_53 = arith.muli %add3A_49, %mul3A_52 : i32
        "tpu.region"() ({
          %run_scoped3A = tpu.sem_alloc : memref<!tpu.dma_semaphore, #tpu.memory_space<semaphore_mem>>
          %dma_start3A = arith.constant 0 : i32
          %dma_start3A_54 = tpu.memref_slice %arg12[%mul3A_53, %dma_start3A] : memref<10000x128xf32, #tpu.memory_space<vmem_shared>> -> memref<40x128xf32, #tpu.memory_space<vmem_shared>>
          %dma_start3A_55 = arith.constant 0 : i32
          %dma_start3A_56 = tpu.memref_slice %arg12[%mul3A_53, %dma_start3A_55] : memref<10000x128xf32, #tpu.memory_space<vmem_shared>> -> memref<40x128xf32, #tpu.memory_space<vmem_shared>>
          tpu.enqueue_dma source(%arg11 : memref<40x128xf32, #tpu.memory_space<vmem>>) target(%dma_start3A_56 : memref<40x128xf32, #tpu.memory_space<vmem_shared>>) target_semaphore(%run_scoped3A : memref<!tpu.dma_semaphore, #tpu.memory_space<semaphore_mem>>)
          %dma_wait3A = arith.constant 0 : i32
          %dma_wait3A_57 = tpu.memref_slice %arg12[%mul3A_53, %dma_wait3A] : memref<10000x128xf32, #tpu.memory_space<vmem_shared>> -> memref<40x128xf32, #tpu.memory_space<vmem_shared>>
          %dma_wait3A_58 = arith.constant 0 : i32
          %dma_wait3A_59 = tpu.memref_slice %arg12[%mul3A_53, %dma_wait3A_58] : memref<10000x128xf32, #tpu.memory_space<vmem_shared>> -> memref<40x128xf32, #tpu.memory_space<vmem_shared>>
          tpu.wait_dma2 semaphore(%run_scoped3A : memref<!tpu.dma_semaphore, #tpu.memory_space<semaphore_mem>>) src(%arg11 : memref<40x128xf32, #tpu.memory_space<vmem>>) dst(%dma_wait3A_59 : memref<40x128xf32, #tpu.memory_space<vmem_shared>>)
          tpu.yield
        }) : () -> ()
      } else {
      }
    }
    %scan3A_29 = arith.constant 16 : i32
    %barrier3A_30 = arith.constant 0 : index
    tpu.barrier barrier_id(%barrier3A_30)
    %scan3A_31 = arith.constant 0 : i32
    %scan3A_32 = arith.constant 50 : i32
    %scan3A_33 = arith.addi %scan3A_31, %scan3A_32 : i32
    %scan3A_34 = arith.constant 1 : i32
    scf.for %scan3A_42 = %scan3A_31 to %scan3A_33 step %scan3A_34  : i32 {
      %mul3A_43 = arith.constant 200 : i32
      %mul3A_44 = arith.muli %scan3A_42, %mul3A_43 : i32
      %add3A_45 = arith.constant 0 : i32
      %add3A_46 = arith.addi %add3A_45, %mul3A_44 : i32
      %add3A_47 = arith.addi %mul3A_2, %add3A_46 : i32
      "tpu.region"() ({
        %run_scoped3A = tpu.sem_alloc : memref<!tpu.dma_semaphore, #tpu.memory_space<semaphore_mem>>
        %dma_start3A = tpu.memref_slice %arg4[%add3A_47] : memref<320000xi32, #tpu.memory_space<hbm>> -> memref<200xi32, #tpu.memory_space<hbm>>
        %dma_start3A_48 = tpu.memref_slice %arg4[%add3A_47] : memref<320000xi32, #tpu.memory_space<hbm>> -> memref<200xi32, #tpu.memory_space<hbm>>
        tpu.enqueue_dma source(%dma_start3A_48 : memref<200xi32, #tpu.memory_space<hbm>>) target(%arg9 : memref<200xi32, #tpu.memory_space<vmem>>) target_semaphore(%run_scoped3A : memref<!tpu.dma_semaphore, #tpu.memory_space<semaphore_mem>>)
        %dma_wait3A = tpu.memref_slice %arg4[%add3A_47] : memref<320000xi32, #tpu.memory_space<hbm>> -> memref<200xi32, #tpu.memory_space<hbm>>
        %dma_wait3A_49 = tpu.memref_slice %arg4[%add3A_47] : memref<320000xi32, #tpu.memory_space<hbm>> -> memref<200xi32, #tpu.memory_space<hbm>>
        tpu.wait_dma2 semaphore(%run_scoped3A : memref<!tpu.dma_semaphore, #tpu.memory_space<semaphore_mem>>) src(%dma_wait3A_49 : memref<200xi32, #tpu.memory_space<hbm>>) dst(%arg9 : memref<200xi32, #tpu.memory_space<vmem>>)
        tpu.yield
      }) : () -> ()
      "tpu.region"() ({
        %run_scoped3A = tpu.sem_alloc : memref<!tpu.dma_semaphore, #tpu.memory_space<semaphore_mem>>
        %dma_start3A = arith.constant 0 : i32
        %dma_start3A_48 = tpu.memref_slice %arg3[%add3A_47, %dma_start3A] : memref<320000x128xf32, #tpu.memory_space<hbm>> -> memref<200x128xf32, #tpu.memory_space<hbm>>
        %dma_start3A_49 = arith.constant 0 : i32
        %dma_start3A_50 = tpu.memref_slice %arg3[%add3A_47, %dma_start3A_49] : memref<320000x128xf32, #tpu.memory_space<hbm>> -> memref<200x128xf32, #tpu.memory_space<hbm>>
        tpu.enqueue_dma source(%dma_start3A_50 : memref<200x128xf32, #tpu.memory_space<hbm>>) target(%arg10 : memref<200x128xf32, #tpu.memory_space<vmem>>) target_semaphore(%run_scoped3A : memref<!tpu.dma_semaphore, #tpu.memory_space<semaphore_mem>>)
        %dma_wait3A = arith.constant 0 : i32
        %dma_wait3A_51 = tpu.memref_slice %arg3[%add3A_47, %dma_wait3A] : memref<320000x128xf32, #tpu.memory_space<hbm>> -> memref<200x128xf32, #tpu.memory_space<hbm>>
        %dma_wait3A_52 = arith.constant 0 : i32
        %dma_wait3A_53 = tpu.memref_slice %arg3[%add3A_47, %dma_wait3A_52] : memref<320000x128xf32, #tpu.memory_space<hbm>> -> memref<200x128xf32, #tpu.memory_space<hbm>>
        tpu.wait_dma2 semaphore(%run_scoped3A : memref<!tpu.dma_semaphore, #tpu.memory_space<semaphore_mem>>) src(%dma_wait3A_53 : memref<200x128xf32, #tpu.memory_space<hbm>>) dst(%arg10 : memref<200x128xf32, #tpu.memory_space<vmem>>)
        tpu.yield
      }) : () -> ()
      "tpu.region"() ({
        %run_scoped3A = tpu.sem_alloc : memref<!tpu.dma_semaphore, #tpu.memory_space<semaphore_mem>>
        %dma_start3A = arith.constant 0 : i32
        %dma_start3A_48 = arith.constant 0 : i32
        %dma_start3A_49 = tpu.memref_slice %arg12[%dma_start3A, %dma_start3A_48] : memref<10000x128xf32, #tpu.memory_space<vmem_shared>> -> memref<10000x128xf32, #tpu.memory_space<vmem_shared>>
        tpu.enqueue_indirect_dma source(%arg10 : memref<200x128xf32, #tpu.memory_space<vmem>>) target(%dma_start3A_49 : memref<10000x128xf32, #tpu.memory_space<vmem_shared>>) offsets(%arg9 : memref<200xi32, #tpu.memory_space<vmem>>) semaphore(%run_scoped3A : memref<!tpu.dma_semaphore, #tpu.memory_space<semaphore_mem>>) {add = true}
        %dma_wait3A = arith.constant 0 : i32
        %dma_wait3A_50 = arith.constant 0 : i32
        %dma_wait3A_51 = tpu.memref_slice %arg12[%dma_wait3A, %dma_wait3A_50] : memref<10000x128xf32, #tpu.memory_space<vmem_shared>> -> memref<10000x128xf32, #tpu.memory_space<vmem_shared>>
        tpu.wait_indirect_dma semaphore(%run_scoped3A : memref<!tpu.dma_semaphore, #tpu.memory_space<semaphore_mem>>) src(%arg10 : memref<200x128xf32, #tpu.memory_space<vmem>>) dst(%dma_wait3A_51 : memref<10000x128xf32, #tpu.memory_space<vmem_shared>>)
        tpu.yield
      }) : () -> ()
    }
    %scan3A_35 = arith.constant 50 : i32
    %barrier3A_36 = arith.constant 0 : index
    tpu.barrier barrier_id(%barrier3A_36)
    %scan3A_37 = arith.constant 0 : i32
    %scan3A_38 = arith.constant 16 : i32
    %scan3A_39 = arith.addi %scan3A_37, %scan3A_38 : i32
    %scan3A_40 = arith.constant 1 : i32
    scf.for %scan3A_42 = %scan3A_37 to %scan3A_39 step %scan3A_40  : i32 {
      %mul3A_43 = arith.constant 1 : i32
      %mul3A_44 = arith.muli %scan3A_42, %mul3A_43 : i32
      %add3A_45 = arith.constant 0 : i32
      %add3A_46 = arith.addi %add3A_45, %mul3A_44 : i32
      %mul3A_47 = arith.constant 16 : i32
      %mul3A_48 = arith.muli %add3A_46, %mul3A_47 : i32
      %add3A_49 = arith.addi %arg1, %mul3A_48 : i32
      %lt3A = arith.constant 250 : i32
      %lt3A_50 = arith.cmpi slt, %add3A_49, %lt3A : i32
      %convert_element_type3A = arith.extui %lt3A_50 : i1 to i32
      %cond3A = arith.constant 0 : i32
      %cond3A_51 = arith.cmpi ne, %convert_element_type3A, %cond3A : i32
      scf.if %cond3A_51 {
        %mul3A_52 = arith.constant 40 : i32
        %mul3A_53 = arith.muli %add3A_49, %mul3A_52 : i32
        %eq3A = arith.constant 0 : i32
        %eq3A_54 = arith.cmpi eq, %arg0, %eq3A : i32
        %convert_element_type3A_55 = arith.extui %eq3A_54 : i1 to i32
        %cond3A_56 = arith.constant 0 : i32
        %cond3A_57 = arith.cmpi ne, %convert_element_type3A_55, %cond3A_56 : i32
        scf.if %cond3A_57 {
          "tpu.region"() ({
            %run_scoped3A = tpu.sem_alloc : memref<!tpu.dma_semaphore, #tpu.memory_space<semaphore_mem>>
            %dma_start3A = arith.constant 0 : i32
            %dma_start3A_63 = tpu.memref_slice %arg7[%mul3A_53, %dma_start3A] : memref<10000x128xf32, #tpu.memory_space<hbm>> -> memref<40x128xf32, #tpu.memory_space<hbm>>
            %dma_start3A_64 = arith.constant 0 : i32
            %dma_start3A_65 = tpu.memref_slice %arg12[%mul3A_53, %dma_start3A_64] : memref<10000x128xf32, #tpu.memory_space<vmem_shared>> -> memref<40x128xf32, #tpu.memory_space<vmem_shared>>
            tpu.enqueue_dma source(%dma_start3A_65 : memref<40x128xf32, #tpu.memory_space<vmem_shared>>) target(%dma_start3A_63 : memref<40x128xf32, #tpu.memory_space<hbm>>) target_semaphore(%run_scoped3A : memref<!tpu.dma_semaphore, #tpu.memory_space<semaphore_mem>>)
            %dma_wait3A = arith.constant 0 : i32
            %dma_wait3A_66 = tpu.memref_slice %arg7[%mul3A_53, %dma_wait3A] : memref<10000x128xf32, #tpu.memory_space<hbm>> -> memref<40x128xf32, #tpu.memory_space<hbm>>
            %dma_wait3A_67 = arith.constant 0 : i32
            %dma_wait3A_68 = tpu.memref_slice %arg12[%mul3A_53, %dma_wait3A_67] : memref<10000x128xf32, #tpu.memory_space<vmem_shared>> -> memref<40x128xf32, #tpu.memory_space<vmem_shared>>
            tpu.wait_dma2 semaphore(%run_scoped3A : memref<!tpu.dma_semaphore, #tpu.memory_space<semaphore_mem>>) src(%dma_wait3A_68 : memref<40x128xf32, #tpu.memory_space<vmem_shared>>) dst(%dma_wait3A_66 : memref<40x128xf32, #tpu.memory_space<hbm>>)
            tpu.yield
          }) : () -> ()
        } else {
        }
        %eq3A_58 = arith.constant 1 : i32
        %eq3A_59 = arith.cmpi eq, %arg0, %eq3A_58 : i32
        %convert_element_type3A_60 = arith.extui %eq3A_59 : i1 to i32
        %cond3A_61 = arith.constant 0 : i32
        %cond3A_62 = arith.cmpi ne, %convert_element_type3A_60, %cond3A_61 : i32
        scf.if %cond3A_62 {
          "tpu.region"() ({
            %run_scoped3A = tpu.sem_alloc : memref<!tpu.dma_semaphore, #tpu.memory_space<semaphore_mem>>
            %dma_start3A = arith.constant 0 : i32
            %dma_start3A_63 = tpu.memref_slice %arg8[%mul3A_53, %dma_start3A] : memref<10000x128xf32, #tpu.memory_space<hbm>> -> memref<40x128xf32, #tpu.memory_space<hbm>>
            %dma_start3A_64 = arith.constant 0 : i32
            %dma_start3A_65 = tpu.memref_slice %arg12[%mul3A_53, %dma_start3A_64] : memref<10000x128xf32, #tpu.memory_space<vmem_shared>> -> memref<40x128xf32, #tpu.memory_space<vmem_shared>>
            tpu.enqueue_dma source(%dma_start3A_65 : memref<40x128xf32, #tpu.memory_space<vmem_shared>>) target(%dma_start3A_63 : memref<40x128xf32, #tpu.memory_space<hbm>>) target_semaphore(%run_scoped3A : memref<!tpu.dma_semaphore, #tpu.memory_space<semaphore_mem>>)
            %dma_wait3A = arith.constant 0 : i32
            %dma_wait3A_66 = tpu.memref_slice %arg8[%mul3A_53, %dma_wait3A] : memref<10000x128xf32, #tpu.memory_space<hbm>> -> memref<40x128xf32, #tpu.memory_space<hbm>>
            %dma_wait3A_67 = arith.constant 0 : i32
            %dma_wait3A_68 = tpu.memref_slice %arg12[%mul3A_53, %dma_wait3A_67] : memref<10000x128xf32, #tpu.memory_space<vmem_shared>> -> memref<40x128xf32, #tpu.memory_space<vmem_shared>>
            tpu.wait_dma2 semaphore(%run_scoped3A : memref<!tpu.dma_semaphore, #tpu.memory_space<semaphore_mem>>) src(%dma_wait3A_68 : memref<40x128xf32, #tpu.memory_space<vmem_shared>>) dst(%dma_wait3A_66 : memref<40x128xf32, #tpu.memory_space<hbm>>)
            tpu.yield
          }) : () -> ()
        } else {
        }
      } else {
      }
    }
    %scan3A_41 = arith.constant 16 : i32
    return
  }
}

#map = affine_map<(d0, d1) -> (0, 0)>
#map1 = affine_map<(d0, d1) -> (0)>
module attributes {stable_mosaic.version = 14 : i64} {
  func.func @k(%arg0: i32, %arg1: i32, %arg2: memref<10000x128xi32, #tpu.memory_space<hbm>>, %arg3: memref<10000x128xi32, #tpu.memory_space<hbm>>, %arg4: memref<320000xi32, #tpu.memory_space<hbm>>, %arg5: memref<320000xi32, #tpu.memory_space<hbm>>, %arg6: memref<320000x128xi32, #tpu.memory_space<hbm>>, %arg7: memref<320000x128xi32, #tpu.memory_space<hbm>>, %arg8: memref<400xi32, #tpu.memory_space<vmem>>, %arg9: memref<400xi32, #tpu.memory_space<vmem>>, %arg10: memref<400x128xi32, #tpu.memory_space<vmem>>, %arg11: memref<400x128xi32, #tpu.memory_space<vmem>>, %arg12: memref<!tpu.dma_semaphore, #tpu.memory_space<semaphore_mem>>, %arg13: memref<!tpu.dma_semaphore, #tpu.memory_space<semaphore_mem>>) attributes {dimension_semantics = [#tpu.dimension_semantics<core_parallel>, #tpu.dimension_semantics<subcore_parallel>], iteration_bounds = array<i64: 2, 16>, scalar_prefetch = 0 : i64, scratch_operands = 6 : i64, tpu.core_type = #tpu.core_type<sc_vector_subcore>, window_params = [{transform_indices = #map}, {transform_indices = #map}, {transform_indices = #map1}, {transform_indices = #map1}, {transform_indices = #map}, {transform_indices = #map}]} {
    %mul3A = arith.constant 2 : i32
    %mul3A_0 = arith.muli %arg1, %mul3A : i32
    %add3A = arith.addi %mul3A_0, %arg0 : i32
    %mul3A_1 = arith.constant 10000 : i32
    %mul3A_2 = arith.muli %add3A, %mul3A_1 : i32
    %scan3A = arith.constant 0 : i32
    %scan3A_3 = arith.constant 25 : i32
    %scan3A_4 = arith.addi %scan3A, %scan3A_3 : i32
    %scan3A_5 = arith.constant 1 : i32
    scf.for %scan3A_7 = %scan3A to %scan3A_4 step %scan3A_5  : i32 {
      %mul3A_8 = arith.constant 400 : i32
      %mul3A_9 = arith.muli %scan3A_7, %mul3A_8 : i32
      %add3A_10 = arith.constant 0 : i32
      %add3A_11 = arith.addi %add3A_10, %mul3A_9 : i32
      %add3A_12 = arith.addi %mul3A_2, %add3A_11 : i32
      "tpu.region"() ({
        %run_scoped3A = tpu.sem_alloc : memref<!tpu.dma_semaphore, #tpu.memory_space<semaphore_mem>>
        %dma_start3A_23 = tpu.memref_slice %arg4[%add3A_12] : memref<320000xi32, #tpu.memory_space<hbm>> -> memref<400xi32, #tpu.memory_space<hbm>>
        %dma_start3A_24 = tpu.memref_slice %arg4[%add3A_12] : memref<320000xi32, #tpu.memory_space<hbm>> -> memref<400xi32, #tpu.memory_space<hbm>>
        tpu.enqueue_dma source(%dma_start3A_24 : memref<400xi32, #tpu.memory_space<hbm>>) target(%arg8 : memref<400xi32, #tpu.memory_space<vmem>>) target_semaphore(%run_scoped3A : memref<!tpu.dma_semaphore, #tpu.memory_space<semaphore_mem>>)
        %dma_wait3A_25 = tpu.memref_slice %arg4[%add3A_12] : memref<320000xi32, #tpu.memory_space<hbm>> -> memref<400xi32, #tpu.memory_space<hbm>>
        %dma_wait3A_26 = tpu.memref_slice %arg4[%add3A_12] : memref<320000xi32, #tpu.memory_space<hbm>> -> memref<400xi32, #tpu.memory_space<hbm>>
        tpu.wait_dma2 semaphore(%run_scoped3A : memref<!tpu.dma_semaphore, #tpu.memory_space<semaphore_mem>>) src(%dma_wait3A_26 : memref<400xi32, #tpu.memory_space<hbm>>) dst(%arg8 : memref<400xi32, #tpu.memory_space<vmem>>)
        tpu.yield
      }) : () -> ()
      "tpu.region"() ({
        %run_scoped3A = tpu.sem_alloc : memref<!tpu.dma_semaphore, #tpu.memory_space<semaphore_mem>>
        %dma_start3A_23 = tpu.memref_slice %arg5[%add3A_12] : memref<320000xi32, #tpu.memory_space<hbm>> -> memref<400xi32, #tpu.memory_space<hbm>>
        %dma_start3A_24 = tpu.memref_slice %arg5[%add3A_12] : memref<320000xi32, #tpu.memory_space<hbm>> -> memref<400xi32, #tpu.memory_space<hbm>>
        tpu.enqueue_dma source(%dma_start3A_24 : memref<400xi32, #tpu.memory_space<hbm>>) target(%arg9 : memref<400xi32, #tpu.memory_space<vmem>>) target_semaphore(%run_scoped3A : memref<!tpu.dma_semaphore, #tpu.memory_space<semaphore_mem>>)
        %dma_wait3A_25 = tpu.memref_slice %arg5[%add3A_12] : memref<320000xi32, #tpu.memory_space<hbm>> -> memref<400xi32, #tpu.memory_space<hbm>>
        %dma_wait3A_26 = tpu.memref_slice %arg5[%add3A_12] : memref<320000xi32, #tpu.memory_space<hbm>> -> memref<400xi32, #tpu.memory_space<hbm>>
        tpu.wait_dma2 semaphore(%run_scoped3A : memref<!tpu.dma_semaphore, #tpu.memory_space<semaphore_mem>>) src(%dma_wait3A_26 : memref<400xi32, #tpu.memory_space<hbm>>) dst(%arg9 : memref<400xi32, #tpu.memory_space<vmem>>)
        tpu.yield
      }) : () -> ()
      %dma_start3A = arith.constant 0 : i32
      %dma_start3A_13 = arith.constant 0 : i32
      %dma_start3A_14 = tpu.memref_slice %arg2[%dma_start3A, %dma_start3A_13] : memref<10000x128xi32, #tpu.memory_space<hbm>> -> memref<10000x128xi32, #tpu.memory_space<hbm>>
      tpu.enqueue_indirect_dma source(%dma_start3A_14 : memref<10000x128xi32, #tpu.memory_space<hbm>>) target(%arg10 : memref<400x128xi32, #tpu.memory_space<vmem>>) offsets(%arg8 : memref<400xi32, #tpu.memory_space<vmem>>) semaphore(%arg12 : memref<!tpu.dma_semaphore, #tpu.memory_space<semaphore_mem>>)
      %dma_start3A_15 = arith.constant 0 : i32
      %dma_start3A_16 = arith.constant 0 : i32
      %dma_start3A_17 = tpu.memref_slice %arg3[%dma_start3A_15, %dma_start3A_16] : memref<10000x128xi32, #tpu.memory_space<hbm>> -> memref<10000x128xi32, #tpu.memory_space<hbm>>
      tpu.enqueue_indirect_dma source(%dma_start3A_17 : memref<10000x128xi32, #tpu.memory_space<hbm>>) target(%arg11 : memref<400x128xi32, #tpu.memory_space<vmem>>) offsets(%arg9 : memref<400xi32, #tpu.memory_space<vmem>>) semaphore(%arg13 : memref<!tpu.dma_semaphore, #tpu.memory_space<semaphore_mem>>)
      %dma_wait3A = arith.constant 0 : i32
      %dma_wait3A_18 = arith.constant 0 : i32
      %dma_wait3A_19 = tpu.memref_slice %arg2[%dma_wait3A, %dma_wait3A_18] : memref<10000x128xi32, #tpu.memory_space<hbm>> -> memref<10000x128xi32, #tpu.memory_space<hbm>>
      tpu.wait_indirect_dma semaphore(%arg12 : memref<!tpu.dma_semaphore, #tpu.memory_space<semaphore_mem>>) src(%dma_wait3A_19 : memref<10000x128xi32, #tpu.memory_space<hbm>>) dst(%arg10 : memref<400x128xi32, #tpu.memory_space<vmem>>)
      %dma_wait3A_20 = arith.constant 0 : i32
      %dma_wait3A_21 = arith.constant 0 : i32
      %dma_wait3A_22 = tpu.memref_slice %arg3[%dma_wait3A_20, %dma_wait3A_21] : memref<10000x128xi32, #tpu.memory_space<hbm>> -> memref<10000x128xi32, #tpu.memory_space<hbm>>
      tpu.wait_indirect_dma semaphore(%arg13 : memref<!tpu.dma_semaphore, #tpu.memory_space<semaphore_mem>>) src(%dma_wait3A_22 : memref<10000x128xi32, #tpu.memory_space<hbm>>) dst(%arg11 : memref<400x128xi32, #tpu.memory_space<vmem>>)
      "tpu.region"() ({
        %run_scoped3A = tpu.sem_alloc : memref<!tpu.dma_semaphore, #tpu.memory_space<semaphore_mem>>
        %dma_start3A_23 = arith.constant 0 : i32
        %dma_start3A_24 = tpu.memref_slice %arg6[%add3A_12, %dma_start3A_23] : memref<320000x128xi32, #tpu.memory_space<hbm>> -> memref<400x128xi32, #tpu.memory_space<hbm>>
        %dma_start3A_25 = arith.constant 0 : i32
        %dma_start3A_26 = tpu.memref_slice %arg6[%add3A_12, %dma_start3A_25] : memref<320000x128xi32, #tpu.memory_space<hbm>> -> memref<400x128xi32, #tpu.memory_space<hbm>>
        tpu.enqueue_dma source(%arg10 : memref<400x128xi32, #tpu.memory_space<vmem>>) target(%dma_start3A_26 : memref<400x128xi32, #tpu.memory_space<hbm>>) target_semaphore(%run_scoped3A : memref<!tpu.dma_semaphore, #tpu.memory_space<semaphore_mem>>)
        %dma_wait3A_27 = arith.constant 0 : i32
        %dma_wait3A_28 = tpu.memref_slice %arg6[%add3A_12, %dma_wait3A_27] : memref<320000x128xi32, #tpu.memory_space<hbm>> -> memref<400x128xi32, #tpu.memory_space<hbm>>
        %dma_wait3A_29 = arith.constant 0 : i32
        %dma_wait3A_30 = tpu.memref_slice %arg6[%add3A_12, %dma_wait3A_29] : memref<320000x128xi32, #tpu.memory_space<hbm>> -> memref<400x128xi32, #tpu.memory_space<hbm>>
        tpu.wait_dma2 semaphore(%run_scoped3A : memref<!tpu.dma_semaphore, #tpu.memory_space<semaphore_mem>>) src(%arg10 : memref<400x128xi32, #tpu.memory_space<vmem>>) dst(%dma_wait3A_30 : memref<400x128xi32, #tpu.memory_space<hbm>>)
        tpu.yield
      }) : () -> ()
      "tpu.region"() ({
        %run_scoped3A = tpu.sem_alloc : memref<!tpu.dma_semaphore, #tpu.memory_space<semaphore_mem>>
        %dma_start3A_23 = arith.constant 0 : i32
        %dma_start3A_24 = tpu.memref_slice %arg7[%add3A_12, %dma_start3A_23] : memref<320000x128xi32, #tpu.memory_space<hbm>> -> memref<400x128xi32, #tpu.memory_space<hbm>>
        %dma_start3A_25 = arith.constant 0 : i32
        %dma_start3A_26 = tpu.memref_slice %arg7[%add3A_12, %dma_start3A_25] : memref<320000x128xi32, #tpu.memory_space<hbm>> -> memref<400x128xi32, #tpu.memory_space<hbm>>
        tpu.enqueue_dma source(%arg11 : memref<400x128xi32, #tpu.memory_space<vmem>>) target(%dma_start3A_26 : memref<400x128xi32, #tpu.memory_space<hbm>>) target_semaphore(%run_scoped3A : memref<!tpu.dma_semaphore, #tpu.memory_space<semaphore_mem>>)
        %dma_wait3A_27 = arith.constant 0 : i32
        %dma_wait3A_28 = tpu.memref_slice %arg7[%add3A_12, %dma_wait3A_27] : memref<320000x128xi32, #tpu.memory_space<hbm>> -> memref<400x128xi32, #tpu.memory_space<hbm>>
        %dma_wait3A_29 = arith.constant 0 : i32
        %dma_wait3A_30 = tpu.memref_slice %arg7[%add3A_12, %dma_wait3A_29] : memref<320000x128xi32, #tpu.memory_space<hbm>> -> memref<400x128xi32, #tpu.memory_space<hbm>>
        tpu.wait_dma2 semaphore(%run_scoped3A : memref<!tpu.dma_semaphore, #tpu.memory_space<semaphore_mem>>) src(%arg11 : memref<400x128xi32, #tpu.memory_space<vmem>>) dst(%dma_wait3A_30 : memref<400x128xi32, #tpu.memory_space<hbm>>)
        tpu.yield
      }) : () -> ()
    }
    %scan3A_6 = arith.constant 25 : i32
    return
  }
}

module attributes {stable_mosaic.version = 14 : i64} {
  func.func @_prepass_body(%arg0: i32, %arg1: memref<1000x128xf32, #tpu.memory_space<vmem>>, %arg2: memref<1000x3xf32, #tpu.memory_space<vmem>>, %arg3: memref<128x128xf32, #tpu.memory_space<vmem>>, %arg4: memref<128x128xf32, #tpu.memory_space<vmem>>, %arg5: memref<1x128xf32, #tpu.memory_space<vmem>>, %arg6: memref<1000x128xi32, #tpu.memory_space<vmem>>, %arg7: memref<1000x128xi32, #tpu.memory_space<vmem>>) attributes {dimension_semantics = [#tpu.dimension_semantics<arbitrary>], iteration_bounds = array<i64: 10>, scalar_prefetch = 0 : i64, scratch_operands = 0 : i64, tpu.core_type = #tpu.core_type<tc>, window_params = [{transform_indices = @transform_0, window_bounds = array<i64: 1000, 128>}, {transform_indices = @transform_1, window_bounds = array<i64: 1000, 3>}, {pipeline_mode = #tpu.pipeline_mode<synchronous>, transform_indices = @transform_2, window_bounds = array<i64: 128, 128>}, {pipeline_mode = #tpu.pipeline_mode<synchronous>, transform_indices = @transform_3, window_bounds = array<i64: 128, 128>}, {pipeline_mode = #tpu.pipeline_mode<synchronous>, transform_indices = @transform_4, window_bounds = array<i64: 1, 128>}, {transform_indices = @transform_5, window_bounds = array<i64: 1000, 128>}, {transform_indices = @transform_6, window_bounds = array<i64: 1000, 128>}]} {
    %get3A = arith.constant 0 : index
    %get3A_0 = arith.constant 0 : index
    %get3A_1 = vector.load %arg1[%get3A, %get3A_0] : memref<1000x128xf32, #tpu.memory_space<vmem>>, vector<1000x128xf32>
    %get3A_2 = arith.constant 0 : index
    %get3A_3 = arith.constant 0 : index
    %get3A_4 = vector.load %arg3[%get3A_2, %get3A_3] : memref<128x128xf32, #tpu.memory_space<vmem>>, vector<128x128xf32>
    %dot_general3A = arith.constant dense<0.000000e+00> : vector<1000x128xf32>
    %dot_general3A_5 = tpu.matmul %get3A_1, %get3A_4, %dot_general3A {dimension_numbers = #tpu.dot_dimension_numbers<[1], [0], [0], [1], [0, 0, 1, 1], [], []>, transpose_lhs_hint = false} : vector<1000x128xf32>, vector<128x128xf32>, vector<1000x128xf32> -> vector<1000x128xf32>
    %get3A_6 = arith.constant 0 : index
    %get3A_7 = arith.constant 0 : index
    %get3A_8 = vector.load %arg5[%get3A_6, %get3A_7] : memref<1x128xf32, #tpu.memory_space<vmem>>, vector<1x128xf32>
    %add3A = vector.broadcast %get3A_8 : vector<1x128xf32> to vector<1000x128xf32>
    %add3A_9 = arith.addf %dot_general3A_5, %add3A : vector<1000x128xf32>
    %get3A_10 = arith.constant 0 : index
    %get3A_11 = arith.constant 0 : index
    %get3A_12 = vector.load %arg4[%get3A_10, %get3A_11] : memref<128x128xf32, #tpu.memory_space<vmem>>, vector<128x128xf32>
    %dot_general3A_13 = arith.constant dense<0.000000e+00> : vector<1000x128xf32>
    %dot_general3A_14 = tpu.matmul %get3A_1, %get3A_12, %dot_general3A_13 {dimension_numbers = #tpu.dot_dimension_numbers<[1], [0], [0], [1], [0, 0, 1, 1], [], []>, transpose_lhs_hint = false} : vector<1000x128xf32>, vector<128x128xf32>, vector<1000x128xf32> -> vector<1000x128xf32>
    %get3A_15 = arith.constant 0 : index
    %get3A_16 = arith.constant 0 : index
    %get3A_17 = vector.load %arg2[%get3A_15, %get3A_16] : memref<1000x3xf32, #tpu.memory_space<vmem>>, vector<1000x3xf32>
    %broadcast_in_dim3A = arith.constant 0.000000e+00 : f32
    %broadcast_in_dim3A_18 = vector.broadcast %broadcast_in_dim3A : f32 to vector<1000x125xf32>
    %concatenate3A = tpu.concatenate %get3A_17, %broadcast_in_dim3A_18 in 1 : vector<1000x3xf32>, vector<1000x125xf32> -> vector<1000x128xf32>
    %bitcast_convert_type3A = tpu.bitcast %add3A_9 : vector<1000x128xf32> -> vector<1000x128xi32>
    %add3A_19 = arith.constant 32768 : i32
    %add3A_20 = vector.broadcast %add3A_19 : i32 to vector<1000x128xi32>
    %add3A_21 = arith.addi %bitcast_convert_type3A, %add3A_20 : vector<1000x128xi32>
    %shift_right_logical3A = arith.constant 16 : i32
    %shift_right_logical3A_22 = vector.broadcast %shift_right_logical3A : i32 to vector<1000x128xi32>
    %shift_right_logical3A_23 = arith.shrui %add3A_21, %shift_right_logical3A_22 : vector<1000x128xi32>
    %bitcast_convert_type3A_24 = tpu.bitcast %concatenate3A : vector<1000x128xf32> -> vector<1000x128xi32>
    %add3A_25 = arith.constant 32768 : i32
    %add3A_26 = vector.broadcast %add3A_25 : i32 to vector<1000x128xi32>
    %add3A_27 = arith.addi %bitcast_convert_type3A_24, %add3A_26 : vector<1000x128xi32>
    %and3A = arith.constant -65536 : i32
    %and3A_28 = vector.broadcast %and3A : i32 to vector<1000x128xi32>
    %and3A_29 = arith.andi %add3A_27, %and3A_28 : vector<1000x128xi32>
    %or3A = arith.ori %shift_right_logical3A_23, %and3A_29 : vector<1000x128xi32>
    %swap3A = arith.constant 0 : index
    %swap3A_30 = arith.constant 0 : index
    %swap3A_31 = vector.load %arg6[%swap3A, %swap3A_30] : memref<1000x128xi32, #tpu.memory_space<vmem>>, vector<1000x128xi32>
    tpu.vector_store %arg6[%swap3A, %swap3A_30], %or3A {strides = array<i32>} : memref<1000x128xi32, #tpu.memory_space<vmem>>, vector<1000x128xi32>,
    %neg3A = arith.constant 0.000000e+00 : f32
    %neg3A_32 = vector.broadcast %neg3A : f32 to vector<1000x128xf32>
    %neg3A_33 = arith.subf %neg3A_32, %concatenate3A : vector<1000x128xf32>
    %bitcast_convert_type3A_34 = tpu.bitcast %dot_general3A_14 : vector<1000x128xf32> -> vector<1000x128xi32>
    %add3A_35 = arith.constant 32768 : i32
    %add3A_36 = vector.broadcast %add3A_35 : i32 to vector<1000x128xi32>
    %add3A_37 = arith.addi %bitcast_convert_type3A_34, %add3A_36 : vector<1000x128xi32>
    %shift_right_logical3A_38 = arith.constant 16 : i32
    %shift_right_logical3A_39 = vector.broadcast %shift_right_logical3A_38 : i32 to vector<1000x128xi32>
    %shift_right_logical3A_40 = arith.shrui %add3A_37, %shift_right_logical3A_39 : vector<1000x128xi32>
    %bitcast_convert_type3A_41 = tpu.bitcast %neg3A_33 : vector<1000x128xf32> -> vector<1000x128xi32>
    %add3A_42 = arith.constant 32768 : i32
    %add3A_43 = vector.broadcast %add3A_42 : i32 to vector<1000x128xi32>
    %add3A_44 = arith.addi %bitcast_convert_type3A_41, %add3A_43 : vector<1000x128xi32>
    %and3A_45 = arith.constant -65536 : i32
    %and3A_46 = vector.broadcast %and3A_45 : i32 to vector<1000x128xi32>
    %and3A_47 = arith.andi %add3A_44, %and3A_46 : vector<1000x128xi32>
    %or3A_48 = arith.ori %shift_right_logical3A_40, %and3A_47 : vector<1000x128xi32>
    %swap3A_49 = arith.constant 0 : index
    %swap3A_50 = arith.constant 0 : index
    %swap3A_51 = vector.load %arg7[%swap3A_49, %swap3A_50] : memref<1000x128xi32, #tpu.memory_space<vmem>>, vector<1000x128xi32>
    tpu.vector_store %arg7[%swap3A_49, %swap3A_50], %or3A_48 {strides = array<i32>} : memref<1000x128xi32, #tpu.memory_space<vmem>>, vector<1000x128xi32>,
    return
  }
  func.func @transform_0(%arg0: i32) -> (i32, i32) {
    %c0_i32 = arith.constant 0 : i32
    %c0_i32_0 = arith.constant 0 : i32
    return %arg0, %c0_i32 : i32, i32
  }
  func.func @transform_1(%arg0: i32) -> (i32, i32) {
    %c0_i32 = arith.constant 0 : i32
    %c0_i32_0 = arith.constant 0 : i32
    return %arg0, %c0_i32 : i32, i32
  }
  func.func @transform_2(%arg0: i32) -> (i32, i32) {
    %c0_i32 = arith.constant 0 : i32
    %c0_i32_0 = arith.constant 0 : i32
    %c0_i32_1 = arith.constant 0 : i32
    return %c0_i32, %c0_i32_0 : i32, i32
  }
  func.func @transform_3(%arg0: i32) -> (i32, i32) {
    %c0_i32 = arith.constant 0 : i32
    %c0_i32_0 = arith.constant 0 : i32
    %c0_i32_1 = arith.constant 0 : i32
    return %c0_i32, %c0_i32_0 : i32, i32
  }
  func.func @transform_4(%arg0: i32) -> (i32, i32) {
    %c0_i32 = arith.constant 0 : i32
    %c0_i32_0 = arith.constant 0 : i32
    %c0_i32_1 = arith.constant 0 : i32
    return %c0_i32, %c0_i32_0 : i32, i32
  }
  func.func @transform_5(%arg0: i32) -> (i32, i32) {
    %c0_i32 = arith.constant 0 : i32
    %c0_i32_0 = arith.constant 0 : i32
    return %arg0, %c0_i32 : i32, i32
  }
  func.func @transform_6(%arg0: i32) -> (i32, i32) {
    %c0_i32 = arith.constant 0 : i32
    %c0_i32_0 = arith.constant 0 : i32
    return %arg0, %c0_i32 : i32, i32
  }
}

module attributes {stable_mosaic.version = 14 : i64} {
  func.func @_edge_body(%arg0: i32, %arg1: memref<2000x128xi32, #tpu.memory_space<vmem>>, %arg2: memref<2000x128xi32, #tpu.memory_space<vmem>>, %arg3: memref<2000x16xf32, #tpu.memory_space<vmem>>, %arg4: memref<1x20xf32, #tpu.memory_space<vmem>>, %arg5: memref<36x128xf32, #tpu.memory_space<vmem>>, %arg6: memref<128x128xf32, #tpu.memory_space<vmem>>, %arg7: memref<1x128xf32, #tpu.memory_space<vmem>>, %arg8: memref<1x128xf32, #tpu.memory_space<vmem>>, %arg9: memref<1x1xf32, #tpu.memory_space<vmem>>, %arg10: memref<128x128xf32, #tpu.memory_space<vmem>>, %arg11: memref<1x128xf32, #tpu.memory_space<vmem>>, %arg12: memref<1x128xf32, #tpu.memory_space<vmem>>, %arg13: memref<2000x128xf32, #tpu.memory_space<vmem>>, %arg14: memref<2000x128xf32, #tpu.memory_space<vmem>>) attributes {dimension_semantics = [#tpu.dimension_semantics<arbitrary>], iteration_bounds = array<i64: 160>, scalar_prefetch = 0 : i64, scratch_operands = 0 : i64, tpu.core_type = #tpu.core_type<tc>, window_params = [{transform_indices = @transform_0, window_bounds = array<i64: 2000, 128>}, {transform_indices = @transform_1, window_bounds = array<i64: 2000, 128>}, {transform_indices = @transform_2, window_bounds = array<i64: 2000, 16>}, {pipeline_mode = #tpu.pipeline_mode<synchronous>, transform_indices = @transform_3, window_bounds = array<i64: 1, 20>}, {pipeline_mode = #tpu.pipeline_mode<synchronous>, transform_indices = @transform_4, window_bounds = array<i64: 36, 128>}, {pipeline_mode = #tpu.pipeline_mode<synchronous>, transform_indices = @transform_5, window_bounds = array<i64: 128, 128>}, {pipeline_mode = #tpu.pipeline_mode<synchronous>, transform_indices = @transform_6, window_bounds = array<i64: 1, 128>}, {pipeline_mode = #tpu.pipeline_mode<synchronous>, transform_indices = @transform_7, window_bounds = array<i64: 1, 128>}, {pipeline_mode = #tpu.pipeline_mode<synchronous>, transform_indices = @transform_8, window_bounds = array<i64: 1, 1>}, {pipeline_mode = #tpu.pipeline_mode<synchronous>, transform_indices = @transform_9, window_bounds = array<i64: 128, 128>}, {pipeline_mode = #tpu.pipeline_mode<synchronous>, transform_indices = @transform_10, window_bounds = array<i64: 1, 128>}, {pipeline_mode = #tpu.pipeline_mode<synchronous>, transform_indices = @transform_11, window_bounds = array<i64: 1, 128>}, {transform_indices = @transform_12, window_bounds = array<i64: 2000, 128>}, {transform_indices = @transform_13, window_bounds = array<i64: 2000, 128>}]} {
    %get3A = arith.constant 0 : index
    %get3A_0 = arith.constant 0 : index
    %get3A_1 = vector.load %arg1[%get3A, %get3A_0] : memref<2000x128xi32, #tpu.memory_space<vmem>>, vector<2000x128xi32>
    %get3A_2 = arith.constant 0 : index
    %get3A_3 = arith.constant 0 : index
    %get3A_4 = vector.load %arg2[%get3A_2, %get3A_3] : memref<2000x128xi32, #tpu.memory_space<vmem>>, vector<2000x128xi32>
    %shift_left3A = arith.constant 16 : i32
    %shift_left3A_5 = vector.broadcast %shift_left3A : i32 to vector<2000x128xi32>
    %shift_left3A_6 = arith.shli %get3A_1, %shift_left3A_5 : vector<2000x128xi32>
    %bitcast_convert_type3A = tpu.bitcast %shift_left3A_6 : vector<2000x128xi32> -> vector<2000x128xf32>
    %shift_left3A_7 = arith.constant 16 : i32
    %shift_left3A_8 = vector.broadcast %shift_left3A_7 : i32 to vector<2000x128xi32>
    %shift_left3A_9 = arith.shli %get3A_4, %shift_left3A_8 : vector<2000x128xi32>
    %bitcast_convert_type3A_10 = tpu.bitcast %shift_left3A_9 : vector<2000x128xi32> -> vector<2000x128xf32>
    %add3A = arith.addf %bitcast_convert_type3A, %bitcast_convert_type3A_10 : vector<2000x128xf32>
    %and3A = arith.constant -65536 : i32
    %and3A_11 = vector.broadcast %and3A : i32 to vector<2000x128xi32>
    %and3A_12 = arith.andi %get3A_1, %and3A_11 : vector<2000x128xi32>
    %bitcast_convert_type3A_13 = tpu.bitcast %and3A_12 : vector<2000x128xi32> -> vector<2000x128xf32>
    %and3A_14 = arith.constant -65536 : i32
    %and3A_15 = vector.broadcast %and3A_14 : i32 to vector<2000x128xi32>
    %and3A_16 = arith.andi %get3A_4, %and3A_15 : vector<2000x128xi32>
    %bitcast_convert_type3A_17 = tpu.bitcast %and3A_16 : vector<2000x128xi32> -> vector<2000x128xf32>
    %add3A_18 = arith.addf %bitcast_convert_type3A_13, %bitcast_convert_type3A_17 : vector<2000x128xf32>
    %slice3A = vector.extract_strided_slice %add3A_18 {offsets = [0, 0], sizes = [2000, 3], strides = [1, 1]} : vector<2000x128xf32> to vector<2000x3xf32>
    %mul3A = arith.mulf %slice3A, %slice3A : vector<2000x3xf32>
    %reduce_sum3A = arith.constant dense<0.000000e+00> : vector<2000xf32>
    %reduce_sum3A_19 = vector.multi_reduction <add>, %mul3A, %reduce_sum3A [1] : vector<2000x3xf32> to vector<2000xf32>
    %broadcast_in_dim3A = vector.shape_cast %reduce_sum3A_19 : vector<2000xf32> to vector<2000x1xf32>
    %add3A_20 = arith.constant 9.99999993E-9 : f32
    %add3A_21 = vector.broadcast %add3A_20 : f32 to vector<2000x1xf32>
    %add3A_22 = arith.addf %broadcast_in_dim3A, %add3A_21 : vector<2000x1xf32>
    %sqrt3A = math.sqrt %add3A_22 : vector<2000x1xf32>
    %get3A_23 = arith.constant 0 : index
    %get3A_24 = arith.constant 0 : index
    %get3A_25 = vector.load %arg4[%get3A_23, %get3A_24] : memref<1x20xf32, #tpu.memory_space<vmem>>, vector<1x20xf32>
    %sub3A = vector.broadcast %sqrt3A : vector<2000x1xf32> to vector<2000x20xf32>
    %sub3A_26 = vector.broadcast %get3A_25 : vector<1x20xf32> to vector<2000x20xf32>
    %sub3A_27 = arith.subf %sub3A, %sub3A_26 : vector<2000x20xf32>
    %integer_pow3A = arith.mulf %sub3A_27, %sub3A_27 : vector<2000x20xf32>
    %mul3A_28 = arith.constant -5.000000e-01 : f32
    %mul3A_29 = vector.broadcast %mul3A_28 : f32 to vector<2000x20xf32>
    %mul3A_30 = arith.mulf %mul3A_29, %integer_pow3A : vector<2000x20xf32>
    %exp3A = math.exp %mul3A_30 : vector<2000x20xf32>
    %get3A_31 = arith.constant 0 : index
    %get3A_32 = arith.constant 0 : index
    %get3A_33 = vector.load %arg3[%get3A_31, %get3A_32] : memref<2000x16xf32, #tpu.memory_space<vmem>>, vector<2000x16xf32>
    %concatenate3A = tpu.concatenate %exp3A, %get3A_33 in 1 : vector<2000x20xf32>, vector<2000x16xf32> -> vector<2000x36xf32>
    %get3A_34 = arith.constant 0 : index
    %get3A_35 = arith.constant 0 : index
    %get3A_36 = vector.load %arg5[%get3A_34, %get3A_35] : memref<36x128xf32, #tpu.memory_space<vmem>>, vector<36x128xf32>
    %dot_general3A = arith.constant dense<0.000000e+00> : vector<2000x128xf32>
    %dot_general3A_37 = tpu.matmul %concatenate3A, %get3A_36, %dot_general3A {dimension_numbers = #tpu.dot_dimension_numbers<[1], [0], [0], [1], [0, 0, 1, 1], [], []>, transpose_lhs_hint = false} : vector<2000x36xf32>, vector<36x128xf32>, vector<2000x128xf32> -> vector<2000x128xf32>
    %add3A_38 = arith.addf %add3A, %dot_general3A_37 : vector<2000x128xf32>
    %logistic3A = arith.negf %add3A_38 : vector<2000x128xf32>
    %logistic3A_39 = math.exp %logistic3A : vector<2000x128xf32>
    %logistic3A_40 = arith.constant 1.000000e+00 : f32
    %logistic3A_41 = vector.broadcast %logistic3A_40 : f32 to vector<2000x128xf32>
    %logistic3A_42 = arith.addf %logistic3A_41, %logistic3A_39 : vector<2000x128xf32>
    %logistic3A_43 = arith.divf %logistic3A_41, %logistic3A_42 : vector<2000x128xf32>
    %mul3A_44 = arith.mulf %add3A_38, %logistic3A_43 : vector<2000x128xf32>
    %get3A_45 = arith.constant 0 : index
    %get3A_46 = arith.constant 0 : index
    %get3A_47 = vector.load %arg6[%get3A_45, %get3A_46] : memref<128x128xf32, #tpu.memory_space<vmem>>, vector<128x128xf32>
    %dot_general3A_48 = arith.constant dense<0.000000e+00> : vector<2000x128xf32>
    %dot_general3A_49 = tpu.matmul %mul3A_44, %get3A_47, %dot_general3A_48 {dimension_numbers = #tpu.dot_dimension_numbers<[1], [0], [0], [1], [0, 0, 1, 1], [], []>, transpose_lhs_hint = false} : vector<2000x128xf32>, vector<128x128xf32>, vector<2000x128xf32> -> vector<2000x128xf32>
    %get3A_50 = arith.constant 0 : index
    %get3A_51 = arith.constant 0 : index
    %get3A_52 = vector.load %arg7[%get3A_50, %get3A_51] : memref<1x128xf32, #tpu.memory_space<vmem>>, vector<1x128xf32>
    %add3A_53 = vector.broadcast %get3A_52 : vector<1x128xf32> to vector<2000x128xf32>
    %add3A_54 = arith.addf %dot_general3A_49, %add3A_53 : vector<2000x128xf32>
    %logistic3A_55 = arith.negf %add3A_54 : vector<2000x128xf32>
    %logistic3A_56 = math.exp %logistic3A_55 : vector<2000x128xf32>
    %logistic3A_57 = arith.constant 1.000000e+00 : f32
    %logistic3A_58 = vector.broadcast %logistic3A_57 : f32 to vector<2000x128xf32>
    %logistic3A_59 = arith.addf %logistic3A_58, %logistic3A_56 : vector<2000x128xf32>
    %logistic3A_60 = arith.divf %logistic3A_58, %logistic3A_59 : vector<2000x128xf32>
    %mul3A_61 = arith.mulf %add3A_54, %logistic3A_60 : vector<2000x128xf32>
    %get3A_62 = arith.constant 0 : index
    %get3A_63 = arith.constant 0 : index
    %get3A_64 = vector.load %arg8[%get3A_62, %get3A_63] : memref<1x128xf32, #tpu.memory_space<vmem>>, vector<1x128xf32>
    %mul3A_65 = vector.broadcast %get3A_64 : vector<1x128xf32> to vector<2000x128xf32>
    %mul3A_66 = arith.mulf %mul3A_61, %mul3A_65 : vector<2000x128xf32>
    %reduce_sum3A_67 = arith.constant dense<0.000000e+00> : vector<2000xf32>
    %reduce_sum3A_68 = vector.multi_reduction <add>, %mul3A_66, %reduce_sum3A_67 [1] : vector<2000x128xf32> to vector<2000xf32>
    %broadcast_in_dim3A_69 = vector.shape_cast %reduce_sum3A_68 : vector<2000xf32> to vector<2000x1xf32>
    %get3A_70 = arith.constant 0 : index
    %get3A_71 = arith.constant 0 : index
    %get3A_72 = vector.load %arg9[%get3A_70, %get3A_71] : memref<1x1xf32, #tpu.memory_space<vmem>>, vector<1x1xf32>
    %add3A_73 = vector.broadcast %get3A_72 : vector<1x1xf32> to vector<2000x1xf32>
    %add3A_74 = arith.addf %broadcast_in_dim3A_69, %add3A_73 : vector<2000x1xf32>
    %logistic3A_75 = arith.negf %add3A_74 : vector<2000x1xf32>
    %logistic3A_76 = math.exp %logistic3A_75 : vector<2000x1xf32>
    %logistic3A_77 = arith.constant 1.000000e+00 : f32
    %logistic3A_78 = vector.broadcast %logistic3A_77 : f32 to vector<2000x1xf32>
    %logistic3A_79 = arith.addf %logistic3A_78, %logistic3A_76 : vector<2000x1xf32>
    %logistic3A_80 = arith.divf %logistic3A_78, %logistic3A_79 : vector<2000x1xf32>
    %get3A_81 = arith.constant 0 : index
    %get3A_82 = arith.constant 0 : index
    %get3A_83 = vector.load %arg10[%get3A_81, %get3A_82] : memref<128x128xf32, #tpu.memory_space<vmem>>, vector<128x128xf32>
    %dot_general3A_84 = arith.constant dense<0.000000e+00> : vector<2000x128xf32>
    %dot_general3A_85 = tpu.matmul %mul3A_61, %get3A_83, %dot_general3A_84 {dimension_numbers = #tpu.dot_dimension_numbers<[1], [0], [0], [1], [0, 0, 1, 1], [], []>, transpose_lhs_hint = false} : vector<2000x128xf32>, vector<128x128xf32>, vector<2000x128xf32> -> vector<2000x128xf32>
    %get3A_86 = arith.constant 0 : index
    %get3A_87 = arith.constant 0 : index
    %get3A_88 = vector.load %arg11[%get3A_86, %get3A_87] : memref<1x128xf32, #tpu.memory_space<vmem>>, vector<1x128xf32>
    %add3A_89 = vector.broadcast %get3A_88 : vector<1x128xf32> to vector<2000x128xf32>
    %add3A_90 = arith.addf %dot_general3A_85, %add3A_89 : vector<2000x128xf32>
    %logistic3A_91 = arith.negf %add3A_90 : vector<2000x128xf32>
    %logistic3A_92 = math.exp %logistic3A_91 : vector<2000x128xf32>
    %logistic3A_93 = arith.constant 1.000000e+00 : f32
    %logistic3A_94 = vector.broadcast %logistic3A_93 : f32 to vector<2000x128xf32>
    %logistic3A_95 = arith.addf %logistic3A_94, %logistic3A_92 : vector<2000x128xf32>
    %logistic3A_96 = arith.divf %logistic3A_94, %logistic3A_95 : vector<2000x128xf32>
    %mul3A_97 = arith.mulf %add3A_90, %logistic3A_96 : vector<2000x128xf32>
    %get3A_98 = arith.constant 0 : index
    %get3A_99 = arith.constant 0 : index
    %get3A_100 = vector.load %arg12[%get3A_98, %get3A_99] : memref<1x128xf32, #tpu.memory_space<vmem>>, vector<1x128xf32>
    %mul3A_101 = vector.broadcast %get3A_100 : vector<1x128xf32> to vector<2000x128xf32>
    %mul3A_102 = arith.mulf %mul3A_97, %mul3A_101 : vector<2000x128xf32>
    %reduce_sum3A_103 = arith.constant dense<0.000000e+00> : vector<2000xf32>
    %reduce_sum3A_104 = vector.multi_reduction <add>, %mul3A_102, %reduce_sum3A_103 [1] : vector<2000x128xf32> to vector<2000xf32>
    %broadcast_in_dim3A_105 = vector.shape_cast %reduce_sum3A_104 : vector<2000xf32> to vector<2000x1xf32>
    %tanh3A = math.tanh %broadcast_in_dim3A_105 : vector<2000x1xf32>
    %mul3A_106 = vector.broadcast %logistic3A_80 : vector<2000x1xf32> to vector<2000x128xf32>
    %mul3A_107 = arith.mulf %mul3A_61, %mul3A_106 : vector<2000x128xf32>
    %swap3A = arith.constant 0 : index
    %swap3A_108 = arith.constant 0 : index
    %swap3A_109 = vector.load %arg13[%swap3A, %swap3A_108] : memref<2000x128xf32, #tpu.memory_space<vmem>>, vector<2000x128xf32>
    tpu.vector_store %arg13[%swap3A, %swap3A_108], %mul3A_107 {strides = array<i32>} : memref<2000x128xf32, #tpu.memory_space<vmem>>, vector<2000x128xf32>,
    %add3A_110 = arith.constant 1.000000e+00 : f32
    %add3A_111 = vector.broadcast %add3A_110 : f32 to vector<2000x1xf32>
    %add3A_112 = arith.addf %sqrt3A, %add3A_111 : vector<2000x1xf32>
    %div3A = arith.divf %tanh3A, %add3A_112 : vector<2000x1xf32>
    %mul3A_113 = vector.broadcast %div3A : vector<2000x1xf32> to vector<2000x3xf32>
    %mul3A_114 = arith.mulf %slice3A, %mul3A_113 : vector<2000x3xf32>
    %broadcast_in_dim3A_115 = arith.constant 0.000000e+00 : f32
    %broadcast_in_dim3A_116 = vector.broadcast %broadcast_in_dim3A_115 : f32 to vector<2000x125xf32>
    %concatenate3A_117 = tpu.concatenate %mul3A_114, %broadcast_in_dim3A_116 in 1 : vector<2000x3xf32>, vector<2000x125xf32> -> vector<2000x128xf32>
    %swap3A_118 = arith.constant 0 : index
    %swap3A_119 = arith.constant 0 : index
    %swap3A_120 = vector.load %arg14[%swap3A_118, %swap3A_119] : memref<2000x128xf32, #tpu.memory_space<vmem>>, vector<2000x128xf32>
    tpu.vector_store %arg14[%swap3A_118, %swap3A_119], %concatenate3A_117 {strides = array<i32>} : memref<2000x128xf32, #tpu.memory_space<vmem>>, vector<2000x128xf32>,
    return
  }
  func.func @transform_0(%arg0: i32) -> (i32, i32) {
    %c0_i32 = arith.constant 0 : i32
    %c0_i32_0 = arith.constant 0 : i32
    return %arg0, %c0_i32 : i32, i32
  }
  func.func @transform_1(%arg0: i32) -> (i32, i32) {
    %c0_i32 = arith.constant 0 : i32
    %c0_i32_0 = arith.constant 0 : i32
    return %arg0, %c0_i32 : i32, i32
  }
  func.func @transform_2(%arg0: i32) -> (i32, i32) {
    %c0_i32 = arith.constant 0 : i32
    %c0_i32_0 = arith.constant 0 : i32
    return %arg0, %c0_i32 : i32, i32
  }
  func.func @transform_3(%arg0: i32) -> (i32, i32) {
    %c0_i32 = arith.constant 0 : i32
    %c0_i32_0 = arith.constant 0 : i32
    %c0_i32_1 = arith.constant 0 : i32
    return %c0_i32, %c0_i32_0 : i32, i32
  }
  func.func @transform_4(%arg0: i32) -> (i32, i32) {
    %c0_i32 = arith.constant 0 : i32
    %c0_i32_0 = arith.constant 0 : i32
    %c0_i32_1 = arith.constant 0 : i32
    return %c0_i32, %c0_i32_0 : i32, i32
  }
  func.func @transform_5(%arg0: i32) -> (i32, i32) {
    %c0_i32 = arith.constant 0 : i32
    %c0_i32_0 = arith.constant 0 : i32
    %c0_i32_1 = arith.constant 0 : i32
    return %c0_i32, %c0_i32_0 : i32, i32
  }
  func.func @transform_6(%arg0: i32) -> (i32, i32) {
    %c0_i32 = arith.constant 0 : i32
    %c0_i32_0 = arith.constant 0 : i32
    %c0_i32_1 = arith.constant 0 : i32
    return %c0_i32, %c0_i32_0 : i32, i32
  }
  func.func @transform_7(%arg0: i32) -> (i32, i32) {
    %c0_i32 = arith.constant 0 : i32
    %c0_i32_0 = arith.constant 0 : i32
    %c0_i32_1 = arith.constant 0 : i32
    return %c0_i32, %c0_i32_0 : i32, i32
  }
  func.func @transform_8(%arg0: i32) -> (i32, i32) {
    %c0_i32 = arith.constant 0 : i32
    %c0_i32_0 = arith.constant 0 : i32
    %c0_i32_1 = arith.constant 0 : i32
    return %c0_i32, %c0_i32_0 : i32, i32
  }
  func.func @transform_9(%arg0: i32) -> (i32, i32) {
    %c0_i32 = arith.constant 0 : i32
    %c0_i32_0 = arith.constant 0 : i32
    %c0_i32_1 = arith.constant 0 : i32
    return %c0_i32, %c0_i32_0 : i32, i32
  }
  func.func @transform_10(%arg0: i32) -> (i32, i32) {
    %c0_i32 = arith.constant 0 : i32
    %c0_i32_0 = arith.constant 0 : i32
    %c0_i32_1 = arith.constant 0 : i32
    return %c0_i32, %c0_i32_0 : i32, i32
  }
  func.func @transform_11(%arg0: i32) -> (i32, i32) {
    %c0_i32 = arith.constant 0 : i32
    %c0_i32_0 = arith.constant 0 : i32
    %c0_i32_1 = arith.constant 0 : i32
    return %c0_i32, %c0_i32_0 : i32, i32
  }
  func.func @transform_12(%arg0: i32) -> (i32, i32) {
    %c0_i32 = arith.constant 0 : i32
    %c0_i32_0 = arith.constant 0 : i32
    return %arg0, %c0_i32 : i32, i32
  }
  func.func @transform_13(%arg0: i32) -> (i32, i32) {
    %c0_i32 = arith.constant 0 : i32
    %c0_i32_0 = arith.constant 0 : i32
    return %arg0, %c0_i32 : i32, i32
  }
}

module attributes {stable_mosaic.version = 14 : i64} {
  func.func @_node_body(%arg0: i32, %arg1: memref<1000x128xf32, #tpu.memory_space<vmem>>, %arg2: memref<1000x128xf32, #tpu.memory_space<vmem>>, %arg3: memref<1000x128xf32, #tpu.memory_space<vmem>>, %arg4: memref<1000x128xf32, #tpu.memory_space<vmem>>, %arg5: memref<1000x128xf32, #tpu.memory_space<vmem>>, %arg6: memref<1000x3xf32, #tpu.memory_space<vmem>>, %arg7: memref<128x128xf32, #tpu.memory_space<vmem>>, %arg8: memref<128x128xf32, #tpu.memory_space<vmem>>, %arg9: memref<1x128xf32, #tpu.memory_space<vmem>>, %arg10: memref<128x128xf32, #tpu.memory_space<vmem>>, %arg11: memref<1x128xf32, #tpu.memory_space<vmem>>, %arg12: memref<1000x128xf32, #tpu.memory_space<vmem>>, %arg13: memref<1000x3xf32, #tpu.memory_space<vmem>>) attributes {dimension_semantics = [#tpu.dimension_semantics<arbitrary>], iteration_bounds = array<i64: 10>, scalar_prefetch = 0 : i64, scratch_operands = 0 : i64, tpu.core_type = #tpu.core_type<tc>, window_params = [{transform_indices = @transform_0, window_bounds = array<i64: 1000, 128>}, {transform_indices = @transform_1, window_bounds = array<i64: 1000, 128>}, {transform_indices = @transform_2, window_bounds = array<i64: 1000, 128>}, {transform_indices = @transform_3, window_bounds = array<i64: 1000, 128>}, {transform_indices = @transform_4, window_bounds = array<i64: 1000, 128>}, {transform_indices = @transform_5, window_bounds = array<i64: 1000, 3>}, {pipeline_mode = #tpu.pipeline_mode<synchronous>, transform_indices = @transform_6, window_bounds = array<i64: 128, 128>}, {pipeline_mode = #tpu.pipeline_mode<synchronous>, transform_indices = @transform_7, window_bounds = array<i64: 128, 128>}, {pipeline_mode = #tpu.pipeline_mode<synchronous>, transform_indices = @transform_8, window_bounds = array<i64: 1, 128>}, {pipeline_mode = #tpu.pipeline_mode<synchronous>, transform_indices = @transform_9, window_bounds = array<i64: 128, 128>}, {pipeline_mode = #tpu.pipeline_mode<synchronous>, transform_indices = @transform_10, window_bounds = array<i64: 1, 128>}, {transform_indices = @transform_11, window_bounds = array<i64: 1000, 128>}, {transform_indices = @transform_12, window_bounds = array<i64: 1000, 3>}]} {
    %get3A = arith.constant 0 : index
    %get3A_0 = arith.constant 0 : index
    %get3A_1 = vector.load %arg1[%get3A, %get3A_0] : memref<1000x128xf32, #tpu.memory_space<vmem>>, vector<1000x128xf32>
    %get3A_2 = arith.constant 0 : index
    %get3A_3 = arith.constant 0 : index
    %get3A_4 = vector.load %arg2[%get3A_2, %get3A_3] : memref<1000x128xf32, #tpu.memory_space<vmem>>, vector<1000x128xf32>
    %add3A = arith.addf %get3A_1, %get3A_4 : vector<1000x128xf32>
    %get3A_5 = arith.constant 0 : index
    %get3A_6 = arith.constant 0 : index
    %get3A_7 = vector.load %arg5[%get3A_5, %get3A_6] : memref<1000x128xf32, #tpu.memory_space<vmem>>, vector<1000x128xf32>
    %get3A_8 = arith.constant 0 : index
    %get3A_9 = arith.constant 0 : index
    %get3A_10 = vector.load %arg7[%get3A_8, %get3A_9] : memref<128x128xf32, #tpu.memory_space<vmem>>, vector<128x128xf32>
    %dot_general3A = arith.constant dense<0.000000e+00> : vector<1000x128xf32>
    %dot_general3A_11 = tpu.matmul %add3A, %get3A_10, %dot_general3A {dimension_numbers = #tpu.dot_dimension_numbers<[1], [0], [0], [1], [0, 0, 1, 1], [], []>, transpose_lhs_hint = false} : vector<1000x128xf32>, vector<128x128xf32>, vector<1000x128xf32> -> vector<1000x128xf32>
    %get3A_12 = arith.constant 0 : index
    %get3A_13 = arith.constant 0 : index
    %get3A_14 = vector.load %arg8[%get3A_12, %get3A_13] : memref<128x128xf32, #tpu.memory_space<vmem>>, vector<128x128xf32>
    %dot_general3A_15 = arith.constant dense<0.000000e+00> : vector<1000x128xf32>
    %dot_general3A_16 = tpu.matmul %get3A_7, %get3A_14, %dot_general3A_15 {dimension_numbers = #tpu.dot_dimension_numbers<[1], [0], [0], [1], [0, 0, 1, 1], [], []>, transpose_lhs_hint = false} : vector<1000x128xf32>, vector<128x128xf32>, vector<1000x128xf32> -> vector<1000x128xf32>
    %add3A_17 = arith.addf %dot_general3A_11, %dot_general3A_16 : vector<1000x128xf32>
    %get3A_18 = arith.constant 0 : index
    %get3A_19 = arith.constant 0 : index
    %get3A_20 = vector.load %arg9[%get3A_18, %get3A_19] : memref<1x128xf32, #tpu.memory_space<vmem>>, vector<1x128xf32>
    %add3A_21 = vector.broadcast %get3A_20 : vector<1x128xf32> to vector<1000x128xf32>
    %add3A_22 = arith.addf %add3A_17, %add3A_21 : vector<1000x128xf32>
    %logistic3A = arith.negf %add3A_22 : vector<1000x128xf32>
    %logistic3A_23 = math.exp %logistic3A : vector<1000x128xf32>
    %logistic3A_24 = arith.constant 1.000000e+00 : f32
    %logistic3A_25 = vector.broadcast %logistic3A_24 : f32 to vector<1000x128xf32>
    %logistic3A_26 = arith.addf %logistic3A_25, %logistic3A_23 : vector<1000x128xf32>
    %logistic3A_27 = arith.divf %logistic3A_25, %logistic3A_26 : vector<1000x128xf32>
    %mul3A = arith.mulf %add3A_22, %logistic3A_27 : vector<1000x128xf32>
    %get3A_28 = arith.constant 0 : index
    %get3A_29 = arith.constant 0 : index
    %get3A_30 = vector.load %arg10[%get3A_28, %get3A_29] : memref<128x128xf32, #tpu.memory_space<vmem>>, vector<128x128xf32>
    %dot_general3A_31 = arith.constant dense<0.000000e+00> : vector<1000x128xf32>
    %dot_general3A_32 = tpu.matmul %mul3A, %get3A_30, %dot_general3A_31 {dimension_numbers = #tpu.dot_dimension_numbers<[1], [0], [0], [1], [0, 0, 1, 1], [], []>, transpose_lhs_hint = false} : vector<1000x128xf32>, vector<128x128xf32>, vector<1000x128xf32> -> vector<1000x128xf32>
    %add3A_33 = arith.addf %get3A_7, %dot_general3A_32 : vector<1000x128xf32>
    %get3A_34 = arith.constant 0 : index
    %get3A_35 = arith.constant 0 : index
    %get3A_36 = vector.load %arg11[%get3A_34, %get3A_35] : memref<1x128xf32, #tpu.memory_space<vmem>>, vector<1x128xf32>
    %add3A_37 = vector.broadcast %get3A_36 : vector<1x128xf32> to vector<1000x128xf32>
    %add3A_38 = arith.addf %add3A_33, %add3A_37 : vector<1000x128xf32>
    %swap3A = arith.constant 0 : index
    %swap3A_39 = arith.constant 0 : index
    %swap3A_40 = vector.load %arg12[%swap3A, %swap3A_39] : memref<1000x128xf32, #tpu.memory_space<vmem>>, vector<1000x128xf32>
    tpu.vector_store %arg12[%swap3A, %swap3A_39], %add3A_38 {strides = array<i32>} : memref<1000x128xf32, #tpu.memory_space<vmem>>, vector<1000x128xf32>,
    %get3A_41 = arith.constant 0 : index
    %get3A_42 = arith.constant 0 : index
    %get3A_43 = vector.load %arg3[%get3A_41, %get3A_42] : memref<1000x128xf32, #tpu.memory_space<vmem>>, vector<1000x128xf32>
    %slice3A = vector.extract_strided_slice %get3A_43 {offsets = [0, 0], sizes = [1000, 3], strides = [1, 1]} : vector<1000x128xf32> to vector<1000x3xf32>
    %get3A_44 = arith.constant 0 : index
    %get3A_45 = arith.constant 0 : index
    %get3A_46 = vector.load %arg4[%get3A_44, %get3A_45] : memref<1000x128xf32, #tpu.memory_space<vmem>>, vector<1000x128xf32>
    %slice3A_47 = vector.extract_strided_slice %get3A_46 {offsets = [0, 0], sizes = [1000, 3], strides = [1, 1]} : vector<1000x128xf32> to vector<1000x3xf32>
    %add3A_48 = arith.addf %slice3A, %slice3A_47 : vector<1000x3xf32>
    %get3A_49 = arith.constant 0 : index
    %get3A_50 = arith.constant 0 : index
    %get3A_51 = vector.load %arg6[%get3A_49, %get3A_50] : memref<1000x3xf32, #tpu.memory_space<vmem>>, vector<1000x3xf32>
    %add3A_52 = arith.addf %get3A_51, %add3A_48 : vector<1000x3xf32>
    %swap3A_53 = arith.constant 0 : index
    %swap3A_54 = arith.constant 0 : index
    %swap3A_55 = vector.load %arg13[%swap3A_53, %swap3A_54] : memref<1000x3xf32, #tpu.memory_space<vmem>>, vector<1000x3xf32>
    tpu.vector_store %arg13[%swap3A_53, %swap3A_54], %add3A_52 {strides = array<i32>} : memref<1000x3xf32, #tpu.memory_space<vmem>>, vector<1000x3xf32>,
    return
  }
  func.func @transform_0(%arg0: i32) -> (i32, i32) {
    %c0_i32 = arith.constant 0 : i32
    %c0_i32_0 = arith.constant 0 : i32
    return %arg0, %c0_i32 : i32, i32
  }
  func.func @transform_1(%arg0: i32) -> (i32, i32) {
    %c0_i32 = arith.constant 0 : i32
    %c0_i32_0 = arith.constant 0 : i32
    return %arg0, %c0_i32 : i32, i32
  }
  func.func @transform_2(%arg0: i32) -> (i32, i32) {
    %c0_i32 = arith.constant 0 : i32
    %c0_i32_0 = arith.constant 0 : i32
    return %arg0, %c0_i32 : i32, i32
  }
  func.func @transform_3(%arg0: i32) -> (i32, i32) {
    %c0_i32 = arith.constant 0 : i32
    %c0_i32_0 = arith.constant 0 : i32
    return %arg0, %c0_i32 : i32, i32
  }
  func.func @transform_4(%arg0: i32) -> (i32, i32) {
    %c0_i32 = arith.constant 0 : i32
    %c0_i32_0 = arith.constant 0 : i32
    return %arg0, %c0_i32 : i32, i32
  }
  func.func @transform_5(%arg0: i32) -> (i32, i32) {
    %c0_i32 = arith.constant 0 : i32
    %c0_i32_0 = arith.constant 0 : i32
    return %arg0, %c0_i32 : i32, i32
  }
  func.func @transform_6(%arg0: i32) -> (i32, i32) {
    %c0_i32 = arith.constant 0 : i32
    %c0_i32_0 = arith.constant 0 : i32
    %c0_i32_1 = arith.constant 0 : i32
    return %c0_i32, %c0_i32_0 : i32, i32
  }
  func.func @transform_7(%arg0: i32) -> (i32, i32) {
    %c0_i32 = arith.constant 0 : i32
    %c0_i32_0 = arith.constant 0 : i32
    %c0_i32_1 = arith.constant 0 : i32
    return %c0_i32, %c0_i32_0 : i32, i32
  }
  func.func @transform_8(%arg0: i32) -> (i32, i32) {
    %c0_i32 = arith.constant 0 : i32
    %c0_i32_0 = arith.constant 0 : i32
    %c0_i32_1 = arith.constant 0 : i32
    return %c0_i32, %c0_i32_0 : i32, i32
  }
  func.func @transform_9(%arg0: i32) -> (i32, i32) {
    %c0_i32 = arith.constant 0 : i32
    %c0_i32_0 = arith.constant 0 : i32
    %c0_i32_1 = arith.constant 0 : i32
    return %c0_i32, %c0_i32_0 : i32, i32
  }
  func.func @transform_10(%arg0: i32) -> (i32, i32) {
    %c0_i32 = arith.constant 0 : i32
    %c0_i32_0 = arith.constant 0 : i32
    %c0_i32_1 = arith.constant 0 : i32
    return %c0_i32, %c0_i32_0 : i32, i32
  }
  func.func @transform_11(%arg0: i32) -> (i32, i32) {
    %c0_i32 = arith.constant 0 : i32
    %c0_i32_0 = arith.constant 0 : i32
    return %arg0, %c0_i32 : i32, i32
  }
  func.func @transform_12(%arg0: i32) -> (i32, i32) {
    %c0_i32 = arith.constant 0 : i32
    %c0_i32_0 = arith.constant 0 : i32
    return %arg0, %c0_i32 : i32, i32
  }
}

</mosaic_0001>

<sc_bundles>
// kernel: kernel.10.cloned.1.call-start
scs
__scs_entry_jumppad:
0x0: {  	(pc) =	sbr.rel $0x88, $3  }
0x1: {  	(tag) =	ssettag $0x0;
	lr =	simm.s32 $0x1  }
0x2: {  	[smem:$0x3F90] =	sst lr;
	_ =	strace $0xD0000000  }
0x3: {  	_ = 	snop  }
0x4: {  	_ = 	snop  }
0x5: {  	_ = 	snop  }
0x6: {  	_ = 	snop  }
0x7: {  	_ = 	snop  }
__scs_overlays_trampoline_lowered:
0x8: {  	[smem:$0x3F9F] =	sst s0  }
0x9: {  	[smem:$0x3FA0] =	sst s1  }
0xa: {  	[smem:$0x3FA1] =	sst s2  }
0xb: {  	[smem:$0x3FA2] =	sst s3  }
0xc: {  	[smem:$0x3FA3] =	sst s4  }
0xd: {  	[smem:$0x3FA4] =	sst s5  }
0xe: {  	[smem:$0x3FA5] =	sst s6  }
0xf: {  	[smem:$0x3FA6] =	sst s7  }
0x10: {  	[smem:$0x3FA7] =	sst s8  }
0x11: {  	[smem:$0x3FA8] =	sst s9;
	s0 =	simm.s32 @!p0 $0x0  }
0x12: {  	s1 =	sld [smem:$0x3F8E];
	s0 =	simm.s32 @p0 $0x1  }
0x13: {  	[smem:$0x3FA9] =	sst s0;
	s0 =	simm.s32 @!p1 $0x0  }
0x14: {  	s2 =	sld [smem:$0x3F8D];
	s0 =	simm.s32 @p1 $0x1  }
0x15: {  	[smem:$0x3FAA] =	sst s0;
	s0 =	simm.s32 @!p2 $0x0  }
0x16: {  	s3 =	sld [smem:$0x3FDB];
	s0 =	simm.s32 @p2 $0x1  }
0x17: {  	s4 =	simm.s32 $0x1BF5;
	[smem:$0x3FAC] =	sst s0  }
0x18: {  	s0 =	sld [smem:$0x3F8F];
	_ =	swait.ge [sflag:s4], $0x0  }
0x19: {  	s7 =	sld [smem:$0x3F90]  }
0x1a: {  	s8 =	sadd.s32 $0xFFFFE003, lr  }
0x1b: {  	s9 =	sadd.s32 $0xFFFFFEF7, lr;
	s5 =	simm.s32 $0xFFFFFFFF;
	p2 =	slt.u32 s8, $0xFFFFF086  }
0x1c: {  	p1 =	slt.u32 s9, $0xF7A;
	s5 =	simm.s32 @!p2 $0x0  }
0x1d: {  	s5 =	simm.s32 @p1 $0x1;
	p0 =	seq.s32 s7, s2  }
0x1e: {  	s7 =	smul.u32 @!p0 $0xF7A, s2;
	p2 =	seq.s32 @!p0 s5, $0x0  }
0x1f: {  	s9 =	smul.u32 $0xF7A, s1;
	s8 =	simm.s32 @!p0 $0x1BF5;
	p2 =	por !p2, p0  }
0x20: {  	[sflag:s8] =	ssyncset.s32 @!p0 $0xFFFFF086;
	s6 =	sadd.s32 @!p0 s3, s7;
	s7 =	simm.s32 @!p0 $0x108  }
0x21: {  	s3 =	sadd.s32 s3, s9;
	s6 =	sadd.s32 @!p0 $0x88, s6;
	s7 =	simm.s32 @p2 $0x1082  }
0x22: {  	[simem:s7], [sflag:s8] =	dma.local @!p0 [hbm:s6], $0xF7A  }
0x23: {  	s9 =	sor.u32 $0xD0000000, s2;
	s6 =	simm.s32 $0x108;
	_ =	swait.ge @!p0 [sflag:s8], $0x0  }
0x24: {  	s3 =	sadd.s32 $0x88, s3;
	s6 =	simm.s32 @!p1 $0x1082;
	[sflag:s4] =	ssyncset.s32 $0xFFFFF086  }
0x25: {  	[simem:s6], [sflag:s4] =	dma.local [hbm:s3], $0xF7A  }
0x26: {  	[smem:$0x3F90] =	sst s1;
	(tag) =	ssettag s2;
	_ =	strace s9  }
0x27: {  	s1 =	sld [smem:$0x3FA0]  }
0x28: {  	s2 =	sld [smem:$0x3FA1]  }
0x29: {  	s4 =	sld [smem:$0x3FA3]  }
0x2a: {  	p0 =	seq.s32 s5, $0x0;
	s5 =	sld [smem:$0x3FA4]  }
0x2b: {  	s6 =	sld [smem:$0x3FA5]  }
0x2c: {  	s7 =	sld [smem:$0x3FA6]  }
0x2d: {  	s3 =	simm.s32 $0x108;
	s8 =	sld [smem:$0x3FA7]  }
0x2e: {  	s3 =	simm.s32 @!p0 $0x1082;
	s9 =	sld [smem:$0x3FA8]  }
0x2f: {  	lr =	sadd.s32 s0, s3;
	s0 =	sld [smem:$0x3F9F]  }
0x30: {  	s3 =	sld [smem:$0x3FA2]  }
0x31: {  	[smem:$0x3FAB] =	sst s10  }
0x32: {  	s10 =	sld [smem:$0x3FA9];
	_ =	sdelay $0x3  }
0x33: {  	p0 =	seq.s32 s10, $0x1;
	s10 =	sld [smem:$0x3FAB];
	_ =	sdelay $0x3  }
0x34: {  	[smem:$0x3FAB] =	sst s10  }
0x35: {  	s10 =	sld [smem:$0x3FAA];
	_ =	sdelay $0x3  }
0x36: {  	p1 =	seq.s32 s10, $0x1;
	s10 =	sld [smem:$0x3FAB];
	_ =	sdelay $0x3  }
0x37: {  	[smem:$0x3FAB] =	sst s10  }
0x38: {  	s10 =	sld [smem:$0x3FAC]  }
0x39: {  	_ = 	snop;
	(pc) =	sbr.ind lr, $3  }
0x3a: {  	_ = 	snop  }
0x3b: {  	_ = 	snop  }
0x3c: {  	p2 =	seq.s32 s10, $0x1;
	s10 =	sld [smem:$0x3FAB]  }
0x3d: {  	_ =	shalt  }
0x3e: {  	_ =	shalt  }
0x3f: {  	_ =	shalt  }
0x40: {  	_ =	shalt  }
0x41: {  	_ =	shalt  }
0x42: {  	_ =	shalt  }
0x43: {  	_ =	shalt  }
0x44: {  	_ =	shalt  }
0x45: {  	_ =	shalt  }
0x46: {  	_ =	shalt  }
0x47: {  	_ =	shalt  }
0x48: {  	_ =	shalt  }
0x49: {  	_ =	shalt  }
0x4a: {  	_ =	shalt  }
0x4b: {  	_ =	shalt  }
0x4c: {  	_ =	shalt  }
0x4d: {  	_ =	shalt  }
0x4e: {  	_ =	shalt  }
0x4f: {  	_ =	shalt  }
0x50: {  	_ =	shalt  }
0x51: {  	_ =	shalt  }
0x52: {  	_ =	shalt  }
0x53: {  	_ =	shalt  }
0x54: {  	_ =	shalt  }
0x55: {  	_ =	shalt  }
0x56: {  	_ =	shalt  }
0x57: {  	_ =	shalt  }
0x58: {  	_ =	shalt  }
0x59: {  	_ =	shalt  }
0x5a: {  	_ =	shalt  }
0x5b: {  	_ =	shalt  }
0x5c: {  	_ =	shalt  }
0x5d: {  	_ =	shalt  }
0x5e: {  	_ =	shalt  }
0x5f: {  	_ =	shalt  }
0x60: {  	_ =	shalt  }
0x61: {  	_ =	shalt  }
0x62: {  	_ =	shalt  }
0x63: {  	_ =	shalt  }
0x64: {  	_ =	shalt  }
0x65: {  	_ =	shalt  }
0x66: {  	_ =	shalt  }
0x67: {  	_ =	shalt  }
0x68: {  	_ =	shalt  }
0x69: {  	_ =	shalt  }
0x6a: {  	_ =	shalt  }
0x6b: {  	_ =	shalt  }
0x6c: {  	_ =	shalt  }
0x6d: {  	_ =	shalt  }
0x6e: {  	_ =	shalt  }
0x6f: {  	_ =	shalt  }
0x70: {  	_ =	shalt  }
0x71: {  	_ =	shalt  }
0x72: {  	_ =	shalt  }
0x73: {  	_ =	shalt  }
0x74: {  	_ =	shalt  }
0x75: {  	_ =	shalt  }
0x76: {  	_ =	shalt  }
0x77: {  	_ =	shalt  }
0x78: {  	_ =	shalt  }
0x79: {  	_ =	shalt  }
0x7a: {  	_ =	shalt  }
0x7b: {  	_ =	shalt  }
0x7c: {  	_ =	shalt  }
0x7d: {  	_ =	shalt  }
0x7e: {  	_ =	shalt  }
0x7f: {  	_ =	shalt  }
0x80: {  	_ =	shalt  }
0x81: {  	_ =	shalt  }
0x82: {  	_ =	shalt  }
0x83: {  	_ =	shalt  }
0x84: {  	_ =	shalt  }
0x85: {  	_ =	shalt  }
0x86: {  	_ =	shalt  }
0x87: {  	_ =	shalt  }
.Lfunc_end0:
.L_simem_size_0:
called_computation.1_lowered:
.L_overlay_start_0:
0x88: {  	s2 =	sld [smem:$0x3FD9]  }
0x89: {  	s3 =	sld [smem:$0x3FFE];
	_ =	sdelay $0x1  }
0x8a: {  	s1 =	srdreg.scid  }
0x8b: {  	s0 =	sand.u32 $0x1, s1  }
0x8c: {  	s14 =	sshll.u32 s0, $0xA;
	s2 =	sadd.s32 s3, s2  }
0x8d: {  	s2 =	sadd.s32 s2, s14  }
0x8e: {  	[smem:$0x3FB7] =	sst s2  }
0x8f: {  	_ = 	snop  }
0x90: {  	s2 =	sld [smem:$0x3FD0];
	_ =	sdelay $0x2  }
0x91: {  	s15 =	simm.s32 $0xA;
	s4 =	simm.s32 $0x10  }
0x92: {  	[smem:s4], [sflag:s15] =	dma.local [hbm:s2], $0x1  }
0x93: {  	_ =	swait.eq [sflag:s15], $0x1  }
0x94: {  	[sflag:s15] =	ssyncset.done $0x0  }
0x95: {  	[sflag:s15] =	ssyncadd.s32 $0xFFFFFFFF  }
0x96: {  	s16 =	sld [smem:$0x10];
	(tm) =	ssettm $0x1  }
0x97: {  	s17 =	sld [smem:$0x3FFB];
	_ =	sdelay $0x3  }
0x98: {  	_ =	strace s17  }
0x99: {  	s3 =	sld [smem:$0x3FFC];
	_ =	sdelay $0x3  }
0x9a: {  	_ =	strace s3  }
0x9b: {  	s3 =	sld [smem:$0x3FFD];
	_ =	sdelay $0x3  }
0x9c: {  	_ =	strace s3  }
0x9d: {  	_ =	strace $0x8FFFFFFF  }
0x9e: {  	s18 =	sld [smem:$0x3FDB];
	_ =	sdelay $0x1  }
0x9f: {  	s19 =	simm.s32 $_scs_section_size  }
0xa0: {  	s5 =	simm.s32 $_size__tile_overlayer_lowered;
	s6 =	simm.s32 $_tile_overlayer_lowered  }
0xa1: {  	s22 =	simm.s32 $0x1BFF;
	s21 =	sshll.u32 s6, $0x1;
	s3 =	sadd.s32 s19, s18  }
0xa2: {  	s7 =	simm.s32 $0x0;
	s20 =	sshll.u32 s5, $0x1;
	s5 =	sadd.s32 s21, s3  }
0xa3: {  	[timem:s7], [sflag:s22] =	dma.local [hbm:s5], s20  }
0xa4: {  	_ =	swait.ge [sflag:s22], s20  }
0xa5: {  	s4 =	ssub.s32 $0x0, s20;
	[sflag:s22] =	ssyncset.done $0x0  }
0xa6: {  	[sflag:s22] =	ssyncadd.s32 s4;
	_ =	sdelay $0x1  }
0xa7: {  	s23 =	simm.s32 $0x1B8B  }
0xa8: {  	_ =	swait.ge [sflag:s23], $0x1  }
0xa9: {  	[sflag:s23] =	ssyncset.done $0x0  }
0xaa: {  	s25 =	simm.s32 $0x1B8E;
	s24 =	sld [smem:$0x3FFE];
	[sflag:s23] =	ssyncadd.s32 $0xFFFFFFFF  }
0xab: {  	s26 =	simm.s32 $execute0_lowered;
	[smem:$0x3FD2] =	sst s25  }
0xac: {  	s5 =	sshll.u32 s26, $0x1;
	_ =	strace $0x80000049;
	[dreg:$0x1] =	wrdreg $0xFFFFFFFF  }
0xad: {  	s28 =	simm.s32 $_size_execute0_lowered;
	s3 =	sadd.s32 s3, s5;
	[dreg:$0x0] =	wrdreg $0x0  }
0xae: {  	s5 =	sshll.u32 s28, $0x1;
	[dreg:$0x2] =	wrdreg s3  }
0xaf: {  	[dreg:$0x3] =	wrdreg s5  }
0xb0: {  	[dreg:$0x4] =	wrdreg $0xC0  }
0xb1: {  	_ =	task [dreg:s7], $0x5FFFF  }
0xb2: {  	[dreg:$0x1] =	wrdreg $0xFFFFFFFF  }
0xb3: {  	[dreg:$0x0] =	wrdreg $0x60  }
0xb4: {  	[dreg:$0x2] =	wrdreg s24  }
0xb5: {  	[dreg:$0x3] =	wrdreg s16  }
0xb6: {  	[dreg:$0x4] =	wrdreg $0x79000  }
0xb7: {  	[dreg:$0x5] =	wrdreg $0x9  }
0xb8: {  	_ =	task.clear_ibuf [dreg:s7], $0x6FFFF;
	_ =	strace $0x90000049  }
0xb9: {  	s29 =	simm.s32 $0x9;
	_ =	strace $0x8000004B  }
0xba: {  	_ =	swait.ge [sflag:s29], $0x1  }
0xbb: {  	[sflag:s29] =	ssyncadd.s32 $0xFFFFFFFF  }
0xbc: {  	_ =	strace $0x9000004B  }
0xbd: {  	_ =	sfence  }
0xbe: {  	s30 =	sld [smem:$0x0];
	_ =	sdelay $0x2  }
0xbf: {  	s31 =	sshll.u32 s1, $0xD;
	s1 =	sshrl.u32 s1, $0x2  }
0xc0: {  	s3 =	sand.u32 $0x4000, s31;
	s1 =	sadd.s32 s1, s30  }
0xc1: {  	s0 =	sor.u32 s3, s0;
	s1 =	sshll.u32 s1, $0x11  }
0xc2: {  	s0 =	sor.u32 s1, s0  }
0xc3: {  	s0 =	sadd.s32 $0x8F2B, s0  }
0xc4: {  	[sflag:s0] =	ssyncadd.remote.s32 $0x1  }
0xc5: {  	_ =	sfence.sel $0xFFFF  }
0xc6: {  	[dreg:$0x0] =	wrdreg $0xFFFFFFFF;
	(pc) =	sbr.abs _section_cstart, $3  }
0xc7: {  	[dreg:$0x1] =	wrdreg $0xFFFFFFFF  }
0xc8: {  	_ =	task.clear_ibuf [dreg:s7], $0x2FFFF;
	_ =	strace $0x9FFFFFFF  }
0xc9: {  	(tm) =	ssettm $0x7FFFFFFF  }
tec
execute0_lowered:
.L_overlay_start_1:
0x0: {  	(tag) =	ssettag $0x1  }
0x1: {  	s7 =	rddreg [dreg:$0x0]  }
0x2: {  	s2 =	rddreg [dreg:$0x1]  }
0x3: {  	s0 =	srdreg.scid;
	s3 =	rddreg [dreg:$0x2]  }
0x4: {  	s1 =	rddreg [dreg:$0x3];
	s8 =	sand.u32 $0x1, s0  }
0x5: {  	s0 =	stileid.u32;
	s5 =	smul.u32 $0x27100, s8  }
0x6: {  	s4 =	simm.s32 $0x0;
	s15 =	simm.s32 $0x100;
	s6 =	smul.u32 $0x2710, s0  }
0x7: {  	s16 =	simm.s32 $0xC8;
	[smem:$0x7FF] =	sst s4;
	s9 =	smul.u32 $0x271000, s8  }
0x8: {  	s17 =	simm.s32 $0x0;
	_ =	strace $0x8000004A;
	s12 =	smul.u32 $0x5000, s0  }
0x9: {  	s10 =	ssub.s32 $0x2, s8;
	s14 =	smul.u32 $0x27100, s0;
	p0 =	seq.s32 s8, $0x1  }
0xa: {  	s13 =	sshrl.u32 s10, $0x1;
	s5 =	sadd.s32 s6, s5;
	s9 =	sadd.s32 s9, s7  }
0xb: {  	s6 =	sadd.s32 $0x67000, s7;
	s10 =	ssub.s32 s10, s13;
	s30 =	sshrl.u32 s12, $0x2  }
0xc: {  	s12 =	smul.u32 $0x280, s0;
	s5 =	sshrl.u32 s5, $0x3;
	s8 =	smax.u32 s10, $0x1  }
0xd: {  	s31 =	sadd.s32 s14, s9;
	s9 =	sadd.s32 s30, s3;
	s14 =	simm.s32 $0x1  }
0xe: {  	s11 =	sadd.s32 s5, s7;
	s5 =	sadd.s32 $0x3FE00, s7;
	s7 =	sadd.s32 $0x8E200, s7  }
0xf: {  	v0 =	vimm.f32 $0.0e+00;
	s10 =	sadd.s32 $0xF0D000, s31;
	s13 =	sadd.s32 $0x13EF000, s31;
	s11 =	sadd.s32 $0x36000, s11  }
.LBB2_1:
0x10: {  	s18 =	simm.s32 $0x70;
	s19 =	simm.s32 $0x3C0  }
.LBB2_2:
0x11: {  	p1 =	sne.s32 s19, $0x4FC0;
	[tilespmem:s18+$0x6500] =	vst v0  }
0x12: {  	[tilespmem:s18+$0x6490] =	vst v0  }
0x13: {  	[tilespmem:s18+$0x64A0] =	vst v0  }
.Ltmp0:
0x14: {  	[tilespmem:s18+$0x64B0] =	vst v0;
	(pc) =	sbr.rel @p1 .LBB2_2-.Ltmp0, $4  }
0x15: {  	[tilespmem:s18+$0x64C0] =	vst v0  }
0x16: {  	[tilespmem:s18+$0x64D0] =	vst v0  }
0x17: {  	[tilespmem:s18+$0x64E0] =	vst v0  }
0x18: {  	[tilespmem:s18+$0x64F0] =	vst v0;
	s18 =	sshra.s32 s19, $0x2;
	s19 =	sadd.s32 $0x200, s19  }
0x19: {  	[tilespmem:s18+$0x6500] =	vst v0  }
0x1a: {  	[tilespmem:s18+$0x6490] =	vst v0  }
0x1b: {  	[tilespmem:s18+$0x64A0] =	vst v0  }
0x1c: {  	[tilespmem:s18+$0x64B0] =	vst v0  }
0x1d: {  	[tilespmem:s18+$0x64C0] =	vst v0  }
0x1e: {  	[tilespmem:s18+$0x64D0] =	vst v0;
	s19 =	sadd.s32 $0x0, s0  }
0x1f: {  	[tilespmem:s18+$0x64E0] =	vst v0;
	p1 =	sgt.u32 s19, $0xF9  }
0x20: {  	[tilespmem:s18+$0x64F0] =	vst v0;
	s18 =	simm.s32 @!p1 $0x6500;
	s21 =	simm.s32 @!p1 $0x1  }
0x21: {  	[spmem:s9] =	stream.linear.scatter @!p1 [tilespmem:s18], [sflag:$0x1], $0x1400, $0x38;
	[tilespmem:$0x1B180] =	vst v63  }
0x22: {  	s20 =	simm.s32 $0x20;
	_ =	swait.ge @!p1 [sflag:s21], $0x1400  }
0x23: {  	s19 =	simm.s32 $0x10;
	s18 =	sadd.s32 $0x14000, s9;
	[sflag:s21] =	ssyncset.done @!p1 $0x0  }
.LBB2_4:
0x24: {  	s22 =	sadd.s32 s19, s0;
	s19 =	smov.u32 s20;
	s20 =	sadd.s32 $0x10, s20  }
0x25: {  	[sflag:s21] =	ssyncadd.s32 @!p1 $0xFFFFEC00;
	p2 =	sne.s32 s20, $0x100  }
.Ltmp1:
0x26: {  	p1 =	sgt.u32 s22, $0xF9;
	(pc) =	sbr.rel @p2 .LBB2_4-.Ltmp1, $4  }
0x27: {  	s22 =	simm.s32 @!p1 $0x6500;
	s21 =	simm.s32 @!p1 $0x1  }
0x28: {  	[spmem:s18] =	stream.linear.scatter @!p1 [tilespmem:s22], [sflag:$0x1], $0x1400, $0x38;
	[tilespmem:$0x1B180] =	vst v63  }
0x29: {  	_ =	swait.ge @!p1 [sflag:s21], $0x1400  }
0x2a: {  	s18 =	sadd.s32 $0x14000, s18;
	[sflag:s21] =	ssyncset.done @!p1 $0x0  }
0x2b: {  	s19 =	sadd.s32 s19, s0  }
0x2c: {  	p2 =	sgt.u32 s19, $0xF9  }
0x2d: {  	[sflag:s21] =	ssyncadd.s32 @!p1 $0xFFFFEC00;
	s19 =	simm.s32 @!p2 $0x6500;
	s20 =	simm.s32 @!p2 $0x1  }
0x2e: {  	[spmem:s18] =	stream.linear.scatter @!p2 [tilespmem:s19], [sflag:$0x1], $0x1400, $0x38;
	[tilespmem:$0x1B180] =	vst v63  }
0x2f: {  	_ =	swait.ge @!p2 [sflag:s20], $0x1400  }
0x30: {  	[sflag:s20] =	ssyncset.done @!p2 $0x0  }
0x31: {  	[sflag:s20] =	ssyncadd.s32 @!p2 $0xFFFFEC00  }
0x32: {  	s31 =	sadd.s32 $0x0, s11;
	[bflag:$0x0] =	sbarrier.arrive $0xFFFF  }
0x33: {  	[tilespmem:s4], [sflag:$0x1] =	stream.linear.gather [hbm4b:s31+s4], $0xC8, $0x38;
	[tilespmem:$0x1B180] =	vst v63  }
0x34: {  	_ =	swait.ge [sflag:s14], $0xC8  }
0x35: {  	[sflag:s14] =	ssyncset.done $0x0  }
0x36: {  	[sflag:s14] =	ssyncadd.s32 $0xFFFFFF38  }
0x37: {  	[tilespmem:s15], [sflag:$0x1] =	stream.linear.gather [hbm4b:s10+s4], $0x6400, $0x38;
	[tilespmem:$0x1B180] =	vst v63  }
0x38: {  	_ =	swait.ge [sflag:s14], $0x6400  }
0x39: {  	[sflag:s14] =	ssyncset.done $0x0  }
0x3a: {  	[sflag:s14] =	ssyncadd.s32 $0xFFFF9C00  }
0x3b: {  	[spmem:s3] =	stream.indirect.scatter.add.f32 [tilespmem:s15], [sflag:$0x1], $0x80, s4, s16, $0xb8;
	[tilespmem:$0x1B180] =	vst v63  }
0x3c: {  	s19 =	simm.s32 $0x19;
	_ =	swait.ge [sflag:s14], $0x6400  }
0x3d: {  	s18 =	sadd.s32 $0xC80, s10;
	s20 =	simm.s32 $0x32;
	[sflag:s14] =	ssyncset.done $0x0  }
.LBB2_6:
0x3e: {  	s21 =	sadd.s32 s19, s11  }
0x3f: {  	[sflag:s14] =	ssyncadd.s32 $0xFFFF9C00;
	s19 =	smov.u32 s20;
	s22 =	sadd.s32 $0x19, s20  }
0x40: {  	[tilespmem:s4], [sflag:$0x1] =	stream.linear.gather [hbm4b:s21+s4], $0xC8, $0x38;
	[tilespmem:$0x1B180] =	vst v63  }
0x41: {  	p1 =	sne.s32 s20, $0x4C9;
	_ =	swait.ge [sflag:s14], $0xC8  }
0x42: {  	[sflag:s14] =	ssyncset.done $0x0  }
0x43: {  	[sflag:s14] =	ssyncadd.s32 $0xFFFFFF38  }
0x44: {  	[tilespmem:s15], [sflag:$0x1] =	stream.linear.gather [hbm4b:s18+s4], $0x6400, $0x38;
	[tilespmem:$0x1B180] =	vst v63  }
0x45: {  	_ =	swait.ge [sflag:s14], $0x6400  }
.Ltmp2:
0x46: {  	[sflag:s14] =	ssyncset.done $0x0;
	(pc) =	sbr.rel @p1 .LBB2_6-.Ltmp2, $4  }
0x47: {  	[sflag:s14] =	ssyncadd.s32 $0xFFFF9C00  }
0x48: {  	[spmem:s3] =	stream.indirect.scatter.add.f32 [tilespmem:s15], [sflag:$0x1], $0x80, s4, s16, $0xb8;
	[tilespmem:$0x1B180] =	vst v63  }
0x49: {  	_ =	swait.ge [sflag:s14], $0x6400  }
0x4a: {  	s20 =	smov.u32 s22;
	s18 =	sadd.s32 $0xC80, s18;
	[sflag:s14] =	ssyncset.done $0x0  }
0x4b: {  	s19 =	sadd.s32 s19, s11;
	[sflag:s14] =	ssyncadd.s32 $0xFFFF9C00  }
0x4c: {  	[tilespmem:s4], [sflag:$0x1] =	stream.linear.gather [hbm4b:s19+s4], $0xC8, $0x38;
	[tilespmem:$0x1B180] =	vst v63  }
0x4d: {  	_ =	swait.ge [sflag:s14], $0xC8  }
0x4e: {  	[sflag:s14] =	ssyncset.done $0x0  }
0x4f: {  	[sflag:s14] =	ssyncadd.s32 $0xFFFFFF38  }
0x50: {  	[tilespmem:s15], [sflag:$0x1] =	stream.linear.gather [hbm4b:s18+s4], $0x6400, $0x38;
	[tilespmem:$0x1B180] =	vst v63  }
0x51: {  	s31 =	sadd.s32 $0x0, s0;
	_ =	swait.ge [sflag:s14], $0x6400  }
0x52: {  	p1 =	sgt.u32 s31, $0xF9;
	[sflag:s14] =	ssyncset.done $0x0  }
0x53: {  	s20 =	smov.u32 s5;
	p2 =	por !p0, p1;
	[sflag:s14] =	ssyncadd.s32 $0xFFFF9C00  }
0x54: {  	[spmem:s3] =	stream.indirect.scatter.add.f32 [tilespmem:s15], [sflag:$0x1], $0x80, s4, s16, $0xb8;
	[tilespmem:$0x1B180] =	vst v63  }
0x55: {  	s19 =	sshll.u32 @!p1 s0, $0x6;
	s18 =	simm.s32 @!p1 $0x1;
	_ =	swait.ge [sflag:s14], $0x6400  }
0x56: {  	s21 =	sshrl.u32 @!p1 s9, $0x3;
	s18 =	simm.s32 @p2 $0x2;
	[sflag:s14] =	ssyncset.done $0x0  }
0x57: {  	s20 =	smov.u32 @p2 s2;
	s19 =	sadd.s32 @!p1 s18, s19;
	[sflag:s14] =	ssyncadd.s32 $0xFFFF9C00  }
0x58: {  	s20 =	sadd.s32 @!p1 s12, s20;
	s19 =	sadd.s32 @!p1 $0x1C00, s19;
	[bflag:$0x0] =	sbarrier.arrive $0xFFFF  }
0x59: {  	[hbm:s20], [sflag:s19] =	dma.local @!p1 [spmem:s21], $0x280  }
0x5a: {  	s19 =	simm.s32 $0x10;
	s20 =	smov.u32 s9;
	s21 =	smov.u32 s12  }
.LBB2_8:
0x5b: {  	s22 =	sadd.s32 s19, s0  }
0x5c: {  	s23 =	smov.u32 s18;
	p2 =	por p1, p1;
	s20 =	sadd.s32 $0x14000, s20  }
0x5d: {  	s21 =	sadd.s32 $0x2800, s21;
	s25 =	smov.u32 s5;
	p1 =	sgt.u32 s22, $0xF9  }
0x5e: {  	s19 =	sadd.s32 $0x10, s19;
	s22 =	sshll.u32 @!p1 s0, $0x6;
	s24 =	sshrl.u32 @!p1 s20, $0x3  }
0x5f: {  	s18 =	simm.s32 @!p1 $0x1;
	p3 =	por !p0, p1;
	_ =	swait.ge @!p2 [sflag:s23], $0x280  }
0x60: {  	s25 =	smov.u32 @p3 s2;
	s18 =	simm.s32 @p3 $0x2;
	[sflag:s23] =	ssyncset.done @!p2 $0x0  }
0x61: {  	[sflag:s23] =	ssyncadd.s32 @!p2 $0xFFFFFD80;
	p2 =	sne.s32 s19, $0x100  }
.Ltmp3:
0x62: {  	_ = 	snop;
	(pc) =	sbr.rel @p2 .LBB2_8-.Ltmp3, $4  }
0x63: {  	_ = 	snop  }
0x64: {  	s22 =	sadd.s32 @!p1 s18, s22  }
0x65: {  	s23 =	sadd.s32 @!p1 s21, s25;
	s22 =	sadd.s32 @!p1 $0x1C00, s22  }
0x66: {  	[hbm:s23], [sflag:s22] =	dma.local @!p1 [spmem:s24], $0x280  }
0x67: {  	p1 =	por p1, p1  }
0x68: {  	_ =	swait.ge @!p1 [sflag:s18], $0x280  }
0x69: {  	s19 =	sadd.s32 $0x0, s0;
	[sflag:s18] =	ssyncset.done @!p1 $0x0  }
0x6a: {  	[sflag:s18] =	ssyncadd.s32 @!p1 $0xFFFFFD80;
	p1 =	sgt.u32 s19, $0xF9  }
0x6b: {  	[bflag:$0x0] =	sbarrier.arrive $0xFFFF;
	s18 =	simm.s32 @!p1 $0x6500;
	s21 =	simm.s32 @!p1 $0x1  }
0x6c: {  	[spmem:s9] =	stream.linear.scatter @!p1 [tilespmem:s18], [sflag:$0x1], $0x1400, $0x38;
	[tilespmem:$0x1B180] =	vst v63  }
0x6d: {  	s20 =	simm.s32 $0x20;
	_ =	swait.ge @!p1 [sflag:s21], $0x1400  }
0x6e: {  	s19 =	simm.s32 $0x10;
	s18 =	sadd.s32 $0x14000, s9;
	[sflag:s21] =	ssyncset.done @!p1 $0x0  }
.LBB2_10:
0x6f: {  	s22 =	sadd.s32 s19, s0;
	s19 =	smov.u32 s20;
	s20 =	sadd.s32 $0x10, s20  }
0x70: {  	[sflag:s21] =	ssyncadd.s32 @!p1 $0xFFFFEC00;
	p2 =	sne.s32 s20, $0x100  }
.Ltmp4:
0x71: {  	p1 =	sgt.u32 s22, $0xF9;
	(pc) =	sbr.rel @p2 .LBB2_10-.Ltmp4, $4  }
0x72: {  	s22 =	simm.s32 @!p1 $0x6500;
	s21 =	simm.s32 @!p1 $0x1  }
0x73: {  	[spmem:s18] =	stream.linear.scatter @!p1 [tilespmem:s22], [sflag:$0x1], $0x1400, $0x38;
	[tilespmem:$0x1B180] =	vst v63  }
0x74: {  	_ =	swait.ge @!p1 [sflag:s21], $0x1400  }
0x75: {  	s18 =	sadd.s32 $0x14000, s18;
	[sflag:s21] =	ssyncset.done @!p1 $0x0  }
0x76: {  	s19 =	sadd.s32 s19, s0  }
0x77: {  	p2 =	sgt.u32 s19, $0xF9  }
0x78: {  	[sflag:s21] =	ssyncadd.s32 @!p1 $0xFFFFEC00;
	s19 =	simm.s32 @!p2 $0x6500;
	s20 =	simm.s32 @!p2 $0x1  }
0x79: {  	[spmem:s18] =	stream.linear.scatter @!p2 [tilespmem:s19], [sflag:$0x1], $0x1400, $0x38;
	[tilespmem:$0x1B180] =	vst v63  }
0x7a: {  	_ =	swait.ge @!p2 [sflag:s20], $0x1400  }
0x7b: {  	[sflag:s20] =	ssyncset.done @!p2 $0x0  }
0x7c: {  	[sflag:s20] =	ssyncadd.s32 @!p2 $0xFFFFEC00  }
0x7d: {  	s31 =	sadd.s32 $0x0, s11;
	[bflag:$0x0] =	sbarrier.arrive $0xFFFF  }
0x7e: {  	[tilespmem:s4], [sflag:$0x1] =	stream.linear.gather [hbm4b:s31+s4], $0xC8, $0x38;
	[tilespmem:$0x1B180] =	vst v63  }
0x7f: {  	_ =	swait.ge [sflag:s14], $0xC8  }
0x80: {  	[sflag:s14] =	ssyncset.done $0x0  }
0x81: {  	[sflag:s14] =	ssyncadd.s32 $0xFFFFFF38  }
0x82: {  	[tilespmem:s15], [sflag:$0x1] =	stream.linear.gather [hbm4b:s13+s4], $0x6400, $0x38;
	[tilespmem:$0x1B180] =	vst v63  }
0x83: {  	_ =	swait.ge [sflag:s14], $0x6400  }
0x84: {  	[sflag:s14] =	ssyncset.done $0x0  }
0x85: {  	[sflag:s14] =	ssyncadd.s32 $0xFFFF9C00  }
0x86: {  	[spmem:s3] =	stream.indirect.scatter.add.f32 [tilespmem:s15], [sflag:$0x1], $0x80, s4, s16, $0xb8;
	[tilespmem:$0x1B180] =	vst v63  }
0x87: {  	s19 =	simm.s32 $0x19;
	_ =	swait.ge [sflag:s14], $0x6400  }
0x88: {  	s18 =	sadd.s32 $0xC80, s13;
	s20 =	simm.s32 $0x32;
	[sflag:s14] =	ssyncset.done $0x0  }
.LBB2_12:
0x89: {  	s21 =	sadd.s32 s19, s11  }
0x8a: {  	[sflag:s14] =	ssyncadd.s32 $0xFFFF9C00;
	s19 =	smov.u32 s20;
	s22 =	sadd.s32 $0x19, s20  }
0x8b: {  	[tilespmem:s4], [sflag:$0x1] =	stream.linear.gather [hbm4b:s21+s4], $0xC8, $0x38;
	[tilespmem:$0x1B180] =	vst v63  }
0x8c: {  	p1 =	sne.s32 s20, $0x4C9;
	_ =	swait.ge [sflag:s14], $0xC8  }
0x8d: {  	[sflag:s14] =	ssyncset.done $0x0  }
0x8e: {  	[sflag:s14] =	ssyncadd.s32 $0xFFFFFF38  }
0x8f: {  	[tilespmem:s15], [sflag:$0x1] =	stream.linear.gather [hbm4b:s18+s4], $0x6400, $0x38;
	[tilespmem:$0x1B180] =	vst v63  }
0x90: {  	_ =	swait.ge [sflag:s14], $0x6400  }
.Ltmp5:
0x91: {  	[sflag:s14] =	ssyncset.done $0x0;
	(pc) =	sbr.rel @p1 .LBB2_12-.Ltmp5, $4  }
0x92: {  	[sflag:s14] =	ssyncadd.s32 $0xFFFF9C00  }
0x93: {  	[spmem:s3] =	stream.indirect.scatter.add.f32 [tilespmem:s15], [sflag:$0x1], $0x80, s4, s16, $0xb8;
	[tilespmem:$0x1B180] =	vst v63  }
0x94: {  	_ =	swait.ge [sflag:s14], $0x6400  }
0x95: {  	s20 =	smov.u32 s22;
	s18 =	sadd.s32 $0xC80, s18;
	[sflag:s14] =	ssyncset.done $0x0  }
0x96: {  	s19 =	sadd.s32 s19, s11;
	[sflag:s14] =	ssyncadd.s32 $0xFFFF9C00  }
0x97: {  	[tilespmem:s4], [sflag:$0x1] =	stream.linear.gather [hbm4b:s19+s4], $0xC8, $0x38;
	[tilespmem:$0x1B180] =	vst v63  }
0x98: {  	_ =	swait.ge [sflag:s14], $0xC8  }
0x99: {  	[sflag:s14] =	ssyncset.done $0x0  }
0x9a: {  	[sflag:s14] =	ssyncadd.s32 $0xFFFFFF38  }
0x9b: {  	[tilespmem:s15], [sflag:$0x1] =	stream.linear.gather [hbm4b:s18+s4], $0x6400, $0x38;
	[tilespmem:$0x1B180] =	vst v63  }
0x9c: {  	s31 =	sadd.s32 $0x0, s0;
	_ =	swait.ge [sflag:s14], $0x6400  }
0x9d: {  	p1 =	sgt.u32 s31, $0xF9;
	[sflag:s14] =	ssyncset.done $0x0  }
0x9e: {  	s20 =	smov.u32 s7;
	p2 =	por !p0, p1;
	[sflag:s14] =	ssyncadd.s32 $0xFFFF9C00  }
0x9f: {  	[spmem:s3] =	stream.indirect.scatter.add.f32 [tilespmem:s15], [sflag:$0x1], $0x80, s4, s16, $0xb8;
	[tilespmem:$0x1B180] =	vst v63  }
0xa0: {  	s19 =	sshll.u32 @!p1 s0, $0x6;
	s18 =	simm.s32 @!p1 $0x1;
	_ =	swait.ge [sflag:s14], $0x6400  }
0xa1: {  	s21 =	sshrl.u32 @!p1 s9, $0x3;
	s18 =	simm.s32 @p2 $0x2;
	[sflag:s14] =	ssyncset.done $0x0  }
0xa2: {  	s20 =	smov.u32 @p2 s6;
	s19 =	sadd.s32 @!p1 s18, s19;
	[sflag:s14] =	ssyncadd.s32 $0xFFFF9C00  }
0xa3: {  	s20 =	sadd.s32 @!p1 s12, s20;
	s19 =	sadd.s32 @!p1 $0x1C00, s19;
	[bflag:$0x0] =	sbarrier.arrive $0xFFFF  }
0xa4: {  	[hbm:s20], [sflag:s19] =	dma.local @!p1 [spmem:s21], $0x280  }
0xa5: {  	s19 =	simm.s32 $0x10;
	s20 =	smov.u32 s9;
	s21 =	smov.u32 s12  }
.LBB2_14:
0xa6: {  	s22 =	sadd.s32 s19, s0  }
0xa7: {  	s23 =	smov.u32 s18;
	p2 =	por p1, p1;
	s20 =	sadd.s32 $0x14000, s20  }
0xa8: {  	s21 =	sadd.s32 $0x2800, s21;
	s25 =	smov.u32 s7;
	p1 =	sgt.u32 s22, $0xF9  }
0xa9: {  	s19 =	sadd.s32 $0x10, s19;
	s22 =	sshll.u32 @!p1 s0, $0x6;
	s24 =	sshrl.u32 @!p1 s20, $0x3  }
0xaa: {  	s18 =	simm.s32 @!p1 $0x1;
	p3 =	por !p0, p1;
	_ =	swait.ge @!p2 [sflag:s23], $0x280  }
0xab: {  	s25 =	smov.u32 @p3 s6;
	s18 =	simm.s32 @p3 $0x2;
	[sflag:s23] =	ssyncset.done @!p2 $0x0  }
0xac: {  	[sflag:s23] =	ssyncadd.s32 @!p2 $0xFFFFFD80;
	p2 =	sne.s32 s19, $0x100  }
.Ltmp6:
0xad: {  	_ = 	snop;
	(pc) =	sbr.rel @p2 .LBB2_14-.Ltmp6, $4  }
0xae: {  	_ = 	snop  }
0xaf: {  	s22 =	sadd.s32 @!p1 s18, s22  }
0xb0: {  	s23 =	sadd.s32 @!p1 s21, s25;
	s22 =	sadd.s32 @!p1 $0x1C00, s22  }
0xb1: {  	[hbm:s23], [sflag:s22] =	dma.local @!p1 [spmem:s24], $0x280  }
0xb2: {  	s17 =	sadd.s32 $0x1, s17  }
0xb3: {  	p2 =	sne.s32 s17, s8  }
.Ltmp7:
0xb4: {  	_ = 	snop;
	(pc) =	sbr.rel @p2 .LBB2_1-.Ltmp7, $4  }
0xb5: {  	p1 =	por p1, p1  }
0xb6: {  	_ =	swait.ge @!p1 [sflag:s18], $0x280  }
0xb7: {  	[sflag:s18] =	ssyncset.done @!p1 $0x0  }
0xb8: {  	[sflag:s18] =	ssyncadd.s32 @!p1 $0xFFFFFD80  }
0xb9: {  	_ =	sfence.sel $0x180000  }
0xba: {  	[bflag:$0x0] =	sbarrier.arrive $0xFFFF  }
0xbb: {  	p0 =	sne.s32 s0, $0x0;
	_ =	strace $0x9000004A  }
0xbc: {  	s0 =	sadd.s32 @!p0 $0x100000, s1;
	[bflag:$0x2] =	sbarrier.arrive $0xFFFF  }
0xbd: {  	[sflag:s0] =	ssyncadd.tile.s32 @!p0 $0x1;
	_ =	shalt  }
.Lfunc_end2:
_tile_overlayer_lowered:
.L_overlay_start_2:
0xbe: {  	(tag) =	ssettag $0x2  }
0xbf: {  	s0 =	rddreg [dreg:$0x0];
	s2 =	stileid.u32  }
0xc0: {  	s1 =	rddreg [dreg:$0x1];
	p0 =	sne.s32 s2, $0x0  }
0xc1: {  	s3 =	rddreg [dreg:$0x2];
	[bflag:$0x3] =	sbarrier.arrive $0xFFFF;
	s2 =	simm.s32 @!p0 $0x1C01  }
0xc2: {  	[timem:s3], [sflag:s2] =	dma.local @!p0 [hbm:s0], s1  }
0xc3: {  	s0 =	simm.s32 @!p0 $0x1  }
0xc4: {  	_ =	swait.ge @!p0 [sflag:s0], s1  }
0xc5: {  	s1 =	ssub.s32 @!p0 $0x0, s1;
	[sflag:s0] =	ssyncset.done @!p0 $0x0  }
0xc6: {  	[sflag:s0] =	ssyncadd.s32 @!p0 s1  }
0xc7: {  	[bflag:$0x3] =	sbarrier.arrive $0xFFFF  }
0xc8: {  	_ =	shalt  }

// kernel: kernel.7.cloned.1.call-start
scs
__scs_entry_jumppad:
0x0: {  	(pc) =	sbr.rel $0x88, $3  }
0x1: {  	(tag) =	ssettag $0x0;
	lr =	simm.s32 $0x1  }
0x2: {  	[smem:$0x3F90] =	sst lr;
	_ =	strace $0xD0000000  }
0x3: {  	_ = 	snop  }
0x4: {  	_ = 	snop  }
0x5: {  	_ = 	snop  }
0x6: {  	_ = 	snop  }
0x7: {  	_ = 	snop  }
__scs_overlays_trampoline_lowered:
0x8: {  	[smem:$0x3F9F] =	sst s0  }
0x9: {  	[smem:$0x3FA0] =	sst s1  }
0xa: {  	[smem:$0x3FA1] =	sst s2  }
0xb: {  	[smem:$0x3FA2] =	sst s3  }
0xc: {  	[smem:$0x3FA3] =	sst s4  }
0xd: {  	[smem:$0x3FA4] =	sst s5  }
0xe: {  	[smem:$0x3FA5] =	sst s6  }
0xf: {  	[smem:$0x3FA6] =	sst s7  }
0x10: {  	[smem:$0x3FA7] =	sst s8  }
0x11: {  	[smem:$0x3FA8] =	sst s9;
	s0 =	simm.s32 @!p0 $0x0  }
0x12: {  	s1 =	sld [smem:$0x3F8E];
	s0 =	simm.s32 @p0 $0x1  }
0x13: {  	[smem:$0x3FA9] =	sst s0;
	s0 =	simm.s32 @!p1 $0x0  }
0x14: {  	s2 =	sld [smem:$0x3F8D];
	s0 =	simm.s32 @p1 $0x1  }
0x15: {  	[smem:$0x3FAA] =	sst s0;
	s0 =	simm.s32 @!p2 $0x0  }
0x16: {  	s3 =	sld [smem:$0x3FDB];
	s0 =	simm.s32 @p2 $0x1  }
0x17: {  	s4 =	simm.s32 $0x1BF5;
	[smem:$0x3FAC] =	sst s0  }
0x18: {  	s0 =	sld [smem:$0x3F8F];
	_ =	swait.ge [sflag:s4], $0x0  }
0x19: {  	s7 =	sld [smem:$0x3F90]  }
0x1a: {  	s8 =	sadd.s32 $0xFFFFE003, lr  }
0x1b: {  	s9 =	sadd.s32 $0xFFFFFEF7, lr;
	s5 =	simm.s32 $0xFFFFFFFF;
	p2 =	slt.u32 s8, $0xFFFFF086  }
0x1c: {  	p1 =	slt.u32 s9, $0xF7A;
	s5 =	simm.s32 @!p2 $0x0  }
0x1d: {  	s5 =	simm.s32 @p1 $0x1;
	p0 =	seq.s32 s7, s2  }
0x1e: {  	s7 =	smul.u32 @!p0 $0xF7A, s2;
	p2 =	seq.s32 @!p0 s5, $0x0  }
0x1f: {  	s9 =	smul.u32 $0xF7A, s1;
	s8 =	simm.s32 @!p0 $0x1BF5;
	p2 =	por !p2, p0  }
0x20: {  	[sflag:s8] =	ssyncset.s32 @!p0 $0xFFFFF086;
	s6 =	sadd.s32 @!p0 s3, s7;
	s7 =	simm.s32 @!p0 $0x108  }
0x21: {  	s3 =	sadd.s32 s3, s9;
	s6 =	sadd.s32 @!p0 $0x88, s6;
	s7 =	simm.s32 @p2 $0x1082  }
0x22: {  	[simem:s7], [sflag:s8] =	dma.local @!p0 [hbm:s6], $0xF7A  }
0x23: {  	s9 =	sor.u32 $0xD0000000, s2;
	s6 =	simm.s32 $0x108;
	_ =	swait.ge @!p0 [sflag:s8], $0x0  }
0x24: {  	s3 =	sadd.s32 $0x88, s3;
	s6 =	simm.s32 @!p1 $0x1082;
	[sflag:s4] =	ssyncset.s32 $0xFFFFF086  }
0x25: {  	[simem:s6], [sflag:s4] =	dma.local [hbm:s3], $0xF7A  }
0x26: {  	[smem:$0x3F90] =	sst s1;
	(tag) =	ssettag s2;
	_ =	strace s9  }
0x27: {  	s1 =	sld [smem:$0x3FA0]  }
0x28: {  	s2 =	sld [smem:$0x3FA1]  }
0x29: {  	s4 =	sld [smem:$0x3FA3]  }
0x2a: {  	p0 =	seq.s32 s5, $0x0;
	s5 =	sld [smem:$0x3FA4]  }
0x2b: {  	s6 =	sld [smem:$0x3FA5]  }
0x2c: {  	s7 =	sld [smem:$0x3FA6]  }
0x2d: {  	s3 =	simm.s32 $0x108;
	s8 =	sld [smem:$0x3FA7]  }
0x2e: {  	s3 =	simm.s32 @!p0 $0x1082;
	s9 =	sld [smem:$0x3FA8]  }
0x2f: {  	lr =	sadd.s32 s0, s3;
	s0 =	sld [smem:$0x3F9F]  }
0x30: {  	s3 =	sld [smem:$0x3FA2]  }
0x31: {  	[smem:$0x3FAB] =	sst s10  }
0x32: {  	s10 =	sld [smem:$0x3FA9];
	_ =	sdelay $0x3  }
0x33: {  	p0 =	seq.s32 s10, $0x1;
	s10 =	sld [smem:$0x3FAB];
	_ =	sdelay $0x3  }
0x34: {  	[smem:$0x3FAB] =	sst s10  }
0x35: {  	s10 =	sld [smem:$0x3FAA];
	_ =	sdelay $0x3  }
0x36: {  	p1 =	seq.s32 s10, $0x1;
	s10 =	sld [smem:$0x3FAB];
	_ =	sdelay $0x3  }
0x37: {  	[smem:$0x3FAB] =	sst s10  }
0x38: {  	s10 =	sld [smem:$0x3FAC]  }
0x39: {  	_ = 	snop;
	(pc) =	sbr.ind lr, $3  }
0x3a: {  	_ = 	snop  }
0x3b: {  	_ = 	snop  }
0x3c: {  	p2 =	seq.s32 s10, $0x1;
	s10 =	sld [smem:$0x3FAB]  }
0x3d: {  	_ =	shalt  }
0x3e: {  	_ =	shalt  }
0x3f: {  	_ =	shalt  }
0x40: {  	_ =	shalt  }
0x41: {  	_ =	shalt  }
0x42: {  	_ =	shalt  }
0x43: {  	_ =	shalt  }
0x44: {  	_ =	shalt  }
0x45: {  	_ =	shalt  }
0x46: {  	_ =	shalt  }
0x47: {  	_ =	shalt  }
0x48: {  	_ =	shalt  }
0x49: {  	_ =	shalt  }
0x4a: {  	_ =	shalt  }
0x4b: {  	_ =	shalt  }
0x4c: {  	_ =	shalt  }
0x4d: {  	_ =	shalt  }
0x4e: {  	_ =	shalt  }
0x4f: {  	_ =	shalt  }
0x50: {  	_ =	shalt  }
0x51: {  	_ =	shalt  }
0x52: {  	_ =	shalt  }
0x53: {  	_ =	shalt  }
0x54: {  	_ =	shalt  }
0x55: {  	_ =	shalt  }
0x56: {  	_ =	shalt  }
0x57: {  	_ =	shalt  }
0x58: {  	_ =	shalt  }
0x59: {  	_ =	shalt  }
0x5a: {  	_ =	shalt  }
0x5b: {  	_ =	shalt  }
0x5c: {  	_ =	shalt  }
0x5d: {  	_ =	shalt  }
0x5e: {  	_ =	shalt  }
0x5f: {  	_ =	shalt  }
0x60: {  	_ =	shalt  }
0x61: {  	_ =	shalt  }
0x62: {  	_ =	shalt  }
0x63: {  	_ =	shalt  }
0x64: {  	_ =	shalt  }
0x65: {  	_ =	shalt  }
0x66: {  	_ =	shalt  }
0x67: {  	_ =	shalt  }
0x68: {  	_ =	shalt  }
0x69: {  	_ =	shalt  }
0x6a: {  	_ =	shalt  }
0x6b: {  	_ =	shalt  }
0x6c: {  	_ =	shalt  }
0x6d: {  	_ =	shalt  }
0x6e: {  	_ =	shalt  }
0x6f: {  	_ =	shalt  }
0x70: {  	_ =	shalt  }
0x71: {  	_ =	shalt  }
0x72: {  	_ =	shalt  }
0x73: {  	_ =	shalt  }
0x74: {  	_ =	shalt  }
0x75: {  	_ =	shalt  }
0x76: {  	_ =	shalt  }
0x77: {  	_ =	shalt  }
0x78: {  	_ =	shalt  }
0x79: {  	_ =	shalt  }
0x7a: {  	_ =	shalt  }
0x7b: {  	_ =	shalt  }
0x7c: {  	_ =	shalt  }
0x7d: {  	_ =	shalt  }
0x7e: {  	_ =	shalt  }
0x7f: {  	_ =	shalt  }
0x80: {  	_ =	shalt  }
0x81: {  	_ =	shalt  }
0x82: {  	_ =	shalt  }
0x83: {  	_ =	shalt  }
0x84: {  	_ =	shalt  }
0x85: {  	_ =	shalt  }
0x86: {  	_ =	shalt  }
0x87: {  	_ =	shalt  }
.Lfunc_end0:
.L_simem_size_0:
called_computation_lowered:
.L_overlay_start_0:
0x88: {  	s2 =	sld [smem:$0x3FD9]  }
0x89: {  	s3 =	sld [smem:$0x3FFE];
	_ =	sdelay $0x1  }
0x8a: {  	s1 =	srdreg.scid  }
0x8b: {  	s0 =	sand.u32 $0x1, s1  }
0x8c: {  	s14 =	sshll.u32 s0, $0xA;
	s2 =	sadd.s32 s3, s2  }
0x8d: {  	s2 =	sadd.s32 s2, s14  }
0x8e: {  	[smem:$0x3FB7] =	sst s2  }
0x8f: {  	_ = 	snop  }
0x90: {  	s2 =	sld [smem:$0x3FD0];
	_ =	sdelay $0x2  }
0x91: {  	s15 =	simm.s32 $0xA;
	s4 =	simm.s32 $0x10  }
0x92: {  	[smem:s4], [sflag:s15] =	dma.local [hbm:s2], $0x1  }
0x93: {  	_ =	swait.eq [sflag:s15], $0x1  }
0x94: {  	[sflag:s15] =	ssyncset.done $0x0  }
0x95: {  	[sflag:s15] =	ssyncadd.s32 $0xFFFFFFFF  }
0x96: {  	s16 =	sld [smem:$0x10];
	(tm) =	ssettm $0x1  }
0x97: {  	s17 =	sld [smem:$0x3FFB];
	_ =	sdelay $0x3  }
0x98: {  	_ =	strace s17  }
0x99: {  	s3 =	sld [smem:$0x3FFC];
	_ =	sdelay $0x3  }
0x9a: {  	_ =	strace s3  }
0x9b: {  	s3 =	sld [smem:$0x3FFD];
	_ =	sdelay $0x3  }
0x9c: {  	_ =	strace s3  }
0x9d: {  	_ =	strace $0x8FFFFFFF  }
0x9e: {  	s18 =	sld [smem:$0x3FDB];
	_ =	sdelay $0x1  }
0x9f: {  	s19 =	simm.s32 $_scs_section_size  }
0xa0: {  	s5 =	simm.s32 $_size__tile_overlayer_lowered;
	s6 =	simm.s32 $_tile_overlayer_lowered  }
0xa1: {  	s22 =	simm.s32 $0x1BFF;
	s21 =	sshll.u32 s6, $0x1;
	s3 =	sadd.s32 s19, s18  }
0xa2: {  	s7 =	simm.s32 $0x0;
	s20 =	sshll.u32 s5, $0x1;
	s5 =	sadd.s32 s21, s3  }
0xa3: {  	[timem:s7], [sflag:s22] =	dma.local [hbm:s5], s20  }
0xa4: {  	_ =	swait.ge [sflag:s22], s20  }
0xa5: {  	s4 =	ssub.s32 $0x0, s20;
	[sflag:s22] =	ssyncset.done $0x0  }
0xa6: {  	[sflag:s22] =	ssyncadd.s32 s4;
	_ =	sdelay $0x1  }
0xa7: {  	s23 =	simm.s32 $0x1B8B  }
0xa8: {  	_ =	swait.ge [sflag:s23], $0x1  }
0xa9: {  	[sflag:s23] =	ssyncset.done $0x0  }
0xaa: {  	s25 =	simm.s32 $0x1B8E;
	s24 =	sld [smem:$0x3FFE];
	[sflag:s23] =	ssyncadd.s32 $0xFFFFFFFF  }
0xab: {  	s26 =	simm.s32 $execute0_lowered;
	[smem:$0x3FD2] =	sst s25  }
0xac: {  	s5 =	sshll.u32 s26, $0x1;
	_ =	strace $0x80000046;
	[dreg:$0x1] =	wrdreg $0xFFFFFFFF  }
0xad: {  	s28 =	simm.s32 $_size_execute0_lowered;
	s3 =	sadd.s32 s3, s5;
	[dreg:$0x0] =	wrdreg $0x0  }
0xae: {  	s5 =	sshll.u32 s28, $0x1;
	[dreg:$0x2] =	wrdreg s3  }
0xaf: {  	[dreg:$0x3] =	wrdreg s5  }
0xb0: {  	[dreg:$0x4] =	wrdreg $0xC0  }
0xb1: {  	_ =	task [dreg:s7], $0x5FFFF  }
0xb2: {  	[dreg:$0x1] =	wrdreg $0xFFFFFFFF  }
0xb3: {  	[dreg:$0x0] =	wrdreg $0x60  }
0xb4: {  	[dreg:$0x2] =	wrdreg s16  }
0xb5: {  	[dreg:$0x3] =	wrdreg s24  }
0xb6: {  	[dreg:$0x4] =	wrdreg $0x9  }
0xb7: {  	_ =	task.clear_ibuf [dreg:s7], $0x5FFFF;
	_ =	strace $0x90000046  }
0xb8: {  	s29 =	simm.s32 $0x9;
	_ =	strace $0x80000048  }
0xb9: {  	_ =	swait.ge [sflag:s29], $0x1  }
0xba: {  	[sflag:s29] =	ssyncadd.s32 $0xFFFFFFFF  }
0xbb: {  	_ =	strace $0x90000048  }
0xbc: {  	_ =	sfence  }
0xbd: {  	s30 =	sld [smem:$0x0];
	_ =	sdelay $0x2  }
0xbe: {  	s31 =	sshll.u32 s1, $0xD;
	s1 =	sshrl.u32 s1, $0x2  }
0xbf: {  	s3 =	sand.u32 $0x4000, s31;
	s1 =	sadd.s32 s1, s30  }
0xc0: {  	s0 =	sor.u32 s3, s0;
	s1 =	sshll.u32 s1, $0x11  }
0xc1: {  	s0 =	sor.u32 s1, s0  }
0xc2: {  	s0 =	sadd.s32 $0x8F2B, s0  }
0xc3: {  	[sflag:s0] =	ssyncadd.remote.s32 $0x1  }
0xc4: {  	_ =	sfence.sel $0xFFFF  }
0xc5: {  	[dreg:$0x0] =	wrdreg $0xFFFFFFFF;
	(pc) =	sbr.abs _section_cstart, $3  }
0xc6: {  	[dreg:$0x1] =	wrdreg $0xFFFFFFFF  }
0xc7: {  	_ =	task.clear_ibuf [dreg:s7], $0x2FFFF;
	_ =	strace $0x9FFFFFFF  }
0xc8: {  	(tm) =	ssettm $0x7FFFFFFF  }
0xc9: {  	_ =	shalt  }
tec
execute0_lowered:
.L_overlay_start_1:
0x0: {  	(tag) =	ssettag $0x1  }
0x1: {  	s1 =	rddreg [dreg:$0x0]  }
0x2: {  	s5 =	rddreg [dreg:$0x1]  }
0x3: {  	s0 =	rddreg [dreg:$0x2];
	s3 =	simm.s32 $0x0;
	s4 =	srdreg.scid  }
0x4: {  	s2 =	stileid.u32;
	s11 =	simm.s32 $0x200;
	s12 =	simm.s32 $0x190  }
0x5: {  	s13 =	simm.s32 $0x400;
	s14 =	simm.s32 $0xCC00;
	s15 =	simm.s32 $0x1  }
0x6: {  	s16 =	simm.s32 $0x2;
	s17 =	simm.s32 $0x0;
	s7 =	smul.u32 $0x4E20, s2  }
0x7: {  	[smem:$0x7FF] =	sst s3;
	s6 =	sand.u32 $0x1, s4;
	s9 =	smul.u32 $0x4E200, s2  }
0x8: {  	s4 =	sadd.s32 $0x3FE00, s5;
	s8 =	smul.u32 $0x2710, s6;
	s10 =	ssub.s32 $0x2, s6  }
0x9: {  	_ =	strace $0x80000047;
	s6 =	smul.u32 $0x27100, s6;
	s29 =	sshrl.u32 s10, $0x1  }
0xa: {  	s9 =	sadd.s32 s9, s5;
	s7 =	sadd.s32 s8, s7;
	s8 =	ssub.s32 s10, s29  }
0xb: {  	s31 =	sadd.s32 s6, s9;
	s10 =	simm.s32 $0x3;
	s7 =	sshrl.u32 s7, $0x3  }
0xc: {  	s6 =	sadd.s32 $0x67000, s31;
	s30 =	sadd.s32 s7, s5;
	s5 =	smax.u32 s8, $0x1  }
0xd: {  	s7 =	sadd.s32 $0x549000, s31;
	s8 =	sadd.s32 $0x2C200, s30;
	s9 =	sadd.s32 $0x36000, s30  }
.LBB2_1:
0xe: {  	s18 =	sadd.s32 $0x0, s9  }
0xf: {  	[tilespmem:s3], [sflag:$0x3] =	stream.linear.gather [hbm4b:s18+s3], $0x190, $0x38;
	[tilespmem:$0x19400] =	vst v63  }
0x10: {  	_ =	swait.ge [sflag:s10], $0x190  }
0x11: {  	[sflag:s10] =	ssyncset.done $0x0  }
0x12: {  	s31 =	sadd.s32 $0x0, s8;
	[sflag:s10] =	ssyncadd.s32 $0xFFFFFE70  }
0x13: {  	[tilespmem:s11], [sflag:$0x3] =	stream.linear.gather [hbm4b:s31+s3], $0x190, $0x38;
	[tilespmem:$0x19400] =	vst v63  }
0x14: {  	_ =	swait.ge [sflag:s10], $0x190  }
0x15: {  	[sflag:s10] =	ssyncset.done $0x0  }
0x16: {  	[sflag:s10] =	ssyncadd.s32 $0xFFFFFE70  }
0x17: {  	[tilespmem:s13], [sflag:$0x1] =	stream.indirect.gather [hbm4b:s1+s12], $0x80, s3, s12, $0xb8;
	[tilespmem:$0x19400] =	vst v63  }
0x18: {  	_ = 	snop  }
0x19: {  	[tilespmem:s14], [sflag:$0x2] =	stream.indirect.gather [hbm4b:s4+s12], $0x80, s11, s12, $0xb8;
	[tilespmem:$0x19400] =	vst v63  }
0x1a: {  	_ =	swait.ge [sflag:s15], $0xC800  }
0x1b: {  	[sflag:s15] =	ssyncset.done $0x0  }
0x1c: {  	[sflag:s15] =	ssyncadd.s32 $0xFFFF3800  }
0x1d: {  	_ =	swait.ge [sflag:s16], $0xC800  }
0x1e: {  	[sflag:s16] =	ssyncset.done $0x0  }
0x1f: {  	[sflag:s16] =	ssyncadd.s32 $0xFFFF3800  }
0x20: {  	[hbm4b:s6+s3] =	stream.linear.scatter [tilespmem:s13], [sflag:$0x3], $0xC800, $0x38;
	[tilespmem:$0x19400] =	vst v63  }
0x21: {  	_ =	swait.ge [sflag:s10], $0xC800  }
0x22: {  	[sflag:s10] =	ssyncset.done $0x0  }
0x23: {  	[sflag:s10] =	ssyncadd.s32 $0xFFFF3800  }
0x24: {  	[hbm4b:s7+s3] =	stream.linear.scatter [tilespmem:s14], [sflag:$0x3], $0xC800, $0x38;
	[tilespmem:$0x19400] =	vst v63  }
0x25: {  	s20 =	simm.s32 $0x32;
	s21 =	simm.s32 $0x64;
	_ =	swait.ge [sflag:s10], $0xC800  }
0x26: {  	s19 =	sadd.s32 $0x1900, s6;
	s18 =	sadd.s32 $0x1900, s7;
	[sflag:s10] =	ssyncset.done $0x0  }
.LBB2_2:
0x27: {  	s22 =	sadd.s32 s20, s9  }
0x28: {  	[sflag:s10] =	ssyncadd.s32 $0xFFFF3800;
	s23 =	smov.u32 s21;
	s24 =	sadd.s32 $0x32, s21  }
0x29: {  	[tilespmem:s3], [sflag:$0x3] =	stream.linear.gather [hbm4b:s22+s3], $0x190, $0x38;
	[tilespmem:$0x19400] =	vst v63  }
0x2a: {  	p0 =	sne.s32 s21, $0x4B0;
	_ =	swait.ge [sflag:s10], $0x190  }
0x2b: {  	[sflag:s10] =	ssyncset.done $0x0  }
0x2c: {  	s21 =	sadd.s32 s20, s8;
	s20 =	smov.u32 s23;
	[sflag:s10] =	ssyncadd.s32 $0xFFFFFE70  }
0x2d: {  	[tilespmem:s11], [sflag:$0x3] =	stream.linear.gather [hbm4b:s21+s3], $0x190, $0x38;
	[tilespmem:$0x19400] =	vst v63  }
0x2e: {  	_ =	swait.ge [sflag:s10], $0x190  }
0x2f: {  	[sflag:s10] =	ssyncset.done $0x0  }
0x30: {  	[sflag:s10] =	ssyncadd.s32 $0xFFFFFE70  }
0x31: {  	[tilespmem:s13], [sflag:$0x1] =	stream.indirect.gather [hbm4b:s1+s12], $0x80, s3, s12, $0xb8;
	[tilespmem:$0x19400] =	vst v63  }
0x32: {  	_ = 	snop  }
0x33: {  	[tilespmem:s14], [sflag:$0x2] =	stream.indirect.gather [hbm4b:s4+s12], $0x80, s11, s12, $0xb8;
	[tilespmem:$0x19400] =	vst v63  }
0x34: {  	_ =	swait.ge [sflag:s15], $0xC800  }
0x35: {  	[sflag:s15] =	ssyncset.done $0x0  }
0x36: {  	[sflag:s15] =	ssyncadd.s32 $0xFFFF3800  }
0x37: {  	_ =	swait.ge [sflag:s16], $0xC800  }
0x38: {  	[sflag:s16] =	ssyncset.done $0x0  }
0x39: {  	[sflag:s16] =	ssyncadd.s32 $0xFFFF3800  }
0x3a: {  	[hbm4b:s19+s3] =	stream.linear.scatter [tilespmem:s13], [sflag:$0x3], $0xC800, $0x38;
	[tilespmem:$0x19400] =	vst v63  }
0x3b: {  	_ =	swait.ge [sflag:s10], $0xC800  }
.Ltmp0:
0x3c: {  	[sflag:s10] =	ssyncset.done $0x0;
	(pc) =	sbr.rel @p0 .LBB2_2-.Ltmp0, $4  }
0x3d: {  	[sflag:s10] =	ssyncadd.s32 $0xFFFF3800  }
0x3e: {  	[hbm4b:s18+s3] =	stream.linear.scatter [tilespmem:s14], [sflag:$0x3], $0xC800, $0x38;
	[tilespmem:$0x19400] =	vst v63  }
0x3f: {  	s21 =	smov.u32 s24;
	_ =	swait.ge [sflag:s10], $0xC800  }
0x40: {  	s19 =	sadd.s32 $0x1900, s19;
	s18 =	sadd.s32 $0x1900, s18;
	[sflag:s10] =	ssyncset.done $0x0  }
0x41: {  	s21 =	sadd.s32 s20, s9;
	[sflag:s10] =	ssyncadd.s32 $0xFFFF3800  }
0x42: {  	[tilespmem:s3], [sflag:$0x3] =	stream.linear.gather [hbm4b:s21+s3], $0x190, $0x38;
	[tilespmem:$0x19400] =	vst v63  }
0x43: {  	_ =	swait.ge [sflag:s10], $0x190  }
0x44: {  	[sflag:s10] =	ssyncset.done $0x0  }
0x45: {  	s31 =	sadd.s32 s20, s8;
	[sflag:s10] =	ssyncadd.s32 $0xFFFFFE70  }
0x46: {  	[tilespmem:s11], [sflag:$0x3] =	stream.linear.gather [hbm4b:s31+s3], $0x190, $0x38;
	[tilespmem:$0x19400] =	vst v63  }
0x47: {  	_ =	swait.ge [sflag:s10], $0x190  }
0x48: {  	[sflag:s10] =	ssyncset.done $0x0  }
0x49: {  	[sflag:s10] =	ssyncadd.s32 $0xFFFFFE70  }
0x4a: {  	[tilespmem:s13], [sflag:$0x1] =	stream.indirect.gather [hbm4b:s1+s12], $0x80, s3, s12, $0xb8;
	[tilespmem:$0x19400] =	vst v63  }
0x4b: {  	_ = 	snop  }
0x4c: {  	[tilespmem:s14], [sflag:$0x2] =	stream.indirect.gather [hbm4b:s4+s12], $0x80, s11, s12, $0xb8;
	[tilespmem:$0x19400] =	vst v63  }
0x4d: {  	_ =	swait.ge [sflag:s15], $0xC800  }
0x4e: {  	[sflag:s15] =	ssyncset.done $0x0  }
0x4f: {  	[sflag:s15] =	ssyncadd.s32 $0xFFFF3800  }
0x50: {  	_ =	swait.ge [sflag:s16], $0xC800  }
0x51: {  	[sflag:s16] =	ssyncset.done $0x0  }
0x52: {  	[sflag:s16] =	ssyncadd.s32 $0xFFFF3800  }
0x53: {  	[hbm4b:s19+s3] =	stream.linear.scatter [tilespmem:s13], [sflag:$0x3], $0xC800, $0x38;
	[tilespmem:$0x19400] =	vst v63  }
0x54: {  	s17 =	sadd.s32 $0x1, s17;
	_ =	swait.ge [sflag:s10], $0xC800  }
0x55: {  	p0 =	sne.s32 s17, s5;
	[sflag:s10] =	ssyncset.done $0x0  }
.Ltmp1:
0x56: {  	[sflag:s10] =	ssyncadd.s32 $0xFFFF3800;
	(pc) =	sbr.rel @p0 .LBB2_1-.Ltmp1, $4  }
0x57: {  	[hbm4b:s18+s3] =	stream.linear.scatter [tilespmem:s14], [sflag:$0x3], $0xC800, $0x38;
	[tilespmem:$0x19400] =	vst v63  }
0x58: {  	_ =	swait.ge [sflag:s10], $0xC800  }
0x59: {  	[sflag:s10] =	ssyncset.done $0x0  }
0x5a: {  	[sflag:s10] =	ssyncadd.s32 $0xFFFF3800  }
0x5b: {  	_ =	sfence.sel $0x180000  }
0x5c: {  	[bflag:$0x0] =	sbarrier.arrive $0xFFFF  }
0x5d: {  	p0 =	sne.s32 s2, $0x0;
	_ =	strace $0x90000047  }
0x5e: {  	s0 =	sadd.s32 @!p0 $0x100000, s0;
	[bflag:$0x2] =	sbarrier.arrive $0xFFFF  }
0x5f: {  	[sflag:s0] =	ssyncadd.tile.s32 @!p0 $0x1;
	_ =	shalt  }
.Lfunc_end2:
_tile_overlayer_lowered:
.L_overlay_start_2:
0x60: {  	(tag) =	ssettag $0x2  }
0x61: {  	s0 =	rddreg [dreg:$0x0];
	s2 =	stileid.u32  }
0x62: {  	s1 =	rddreg [dreg:$0x1];
	p0 =	sne.s32 s2, $0x0  }
0x63: {  	s3 =	rddreg [dreg:$0x2];
	[bflag:$0x3] =	sbarrier.arrive $0xFFFF;
	s2 =	simm.s32 @!p0 $0x1C03  }
0x64: {  	[timem:s3], [sflag:s2] =	dma.local @!p0 [hbm:s0], s1  }
0x65: {  	s0 =	simm.s32 @!p0 $0x3  }
0x66: {  	_ =	swait.ge @!p0 [sflag:s0], s1  }
0x67: {  	s1 =	ssub.s32 @!p0 $0x0, s1;
	[sflag:s0] =	ssyncset.done @!p0 $0x0  }
0x68: {  	[sflag:s0] =	ssyncadd.s32 @!p0 s1  }
0x69: {  	[bflag:$0x3] =	sbarrier.arrive $0xFFFF  }
0x6a: {  	_ =	shalt  }

</sc_bundles>
